<compile_context>
chip_gen: v7x
topology: tpu7x:2x2x1
jax: 0.10.2.dev20260603
libtpu: 0.0.44.dev20260713+nightly
codegen_flags: <defaults>
</compile_context>

<pallas_src>
import jax
import jax.numpy as jnp
from jax import lax
from jax.experimental import pallas as pl
from jax.experimental.pallas import tpu as pltpu
from jax.experimental.pallas import tpu_sc as plsc

_N = 20
_NPAD = 32
_SPAD = 384
_WTSZ = 1024
_STEPS = 3


def _tanh(x):
    return 2.0 / (1.0 + jnp.exp(-2.0 * x)) - 1.0


def _brain_body(x_hbm, w_hbm, b_hbm, si_hbm, ii_hbm, oi_hbm, ni_hbm, bidx_hbm,
                out_hbm,
                xv, wv, bv, si0, si1, iiv, oiv, niv, bidx_v,
                wt_v, v_v, bias_v, mask_v, ov, sem):
    n_syn = si_hbm.shape[1]

    if True:
        copies = [
            pltpu.async_copy(x_hbm, xv.at[pl.ds(0, 4)], sem),
            pltpu.async_copy(w_hbm, wv.at[pl.ds(0, n_syn)], sem),
            pltpu.async_copy(b_hbm, bv, sem),
            pltpu.async_copy(si_hbm.at[0], si0.at[pl.ds(0, n_syn)], sem),
            pltpu.async_copy(si_hbm.at[1], si1.at[pl.ds(0, n_syn)], sem),
            pltpu.async_copy(ii_hbm, iiv.at[pl.ds(0, 4)], sem),
            pltpu.async_copy(oi_hbm, oiv.at[pl.ds(0, 2)], sem),
            pltpu.async_copy(ni_hbm, niv, sem),
            pltpu.async_copy(bidx_hbm, bidx_v, sem),
        ]
        zero = jnp.zeros((16,), jnp.float32)
        one = jnp.ones((16,), jnp.float32)
        for j in range(_N * _NPAD // 16):
            wt_v[pl.ds(j * 16, 16)] = zero
        v_v[pl.ds(0, 16)] = zero
        v_v[pl.ds(16, 16)] = zero
        bias_v[pl.ds(0, 16)] = zero
        bias_v[pl.ds(16, 16)] = zero
        mask_v[pl.ds(0, 16)] = one
        mask_v[pl.ds(16, 16)] = one
        for c in copies:
            c.wait()

        lane = lax.iota(jnp.int32, 16)
        plsc.store_scatter(v_v, [iiv[pl.ds(0, 16)]], xv[pl.ds(0, 16)],
                           mask=lane < 4)
        plsc.store_scatter(bias_v, [niv[pl.ds(0, 16)]], bv[pl.ds(0, 16)])
        plsc.store_scatter(mask_v, [oiv[pl.ds(0, 16)]], zero, mask=lane < 2)

        full_chunks = n_syn // 16
        for j in range(full_chunks + (1 if n_syn % 16 else 0)):
            src = si0[pl.ds(j * 16, 16)]
            dst = si1[pl.ds(j * 16, 16)]
            flat = src * _NPAD + dst
            w = wv[pl.ds(j * 16, 16)]
            m = None if j < full_chunks else lane < (n_syn % 16)
            plsc.store_scatter(wt_v, [flat], w, mask=m)

        bias0 = bias_v[pl.ds(0, 16)]
        bias1 = bias_v[pl.ds(16, 16)]
        mask0 = mask_v[pl.ds(0, 16)]
        mask1 = mask_v[pl.ds(16, 16)]

        for _ in range(_STEPS):
            nv0 = bias0
            nv1 = bias1
            for s in range(_N):
                bidx = bidx_v[pl.ds(s * 16, 16)]
                vs = plsc.load_gather(v_v, [bidx])
                nv0 = nv0 + vs * wt_v[pl.ds(s * _NPAD, 16)]
                nv1 = nv1 + vs * wt_v[pl.ds(s * _NPAD + 16, 16)]
            t0 = _tanh(nv0)
            t1 = _tanh(nv1)
            v_v[pl.ds(0, 16)] = nv0 + mask0 * (t0 - nv0)
            v_v[pl.ds(16, 16)] = nv1 + mask1 * (t1 - nv1)

        ov[pl.ds(0, 16)] = plsc.load_gather(v_v, [oiv[pl.ds(0, 16)]],
                                            mask=lane < 2)
        pltpu.sync_copy(ov.at[pl.ds(0, 2)], out_hbm)


def kernel(x, synapse_weights, neuron_biases, synapse_indices, input_indices,
           output_indices, non_input_indices):
    bidx = jnp.repeat(jnp.arange(_N, dtype=jnp.int32), 16)

    mesh = plsc.VectorSubcoreMesh(
        core_axis_name="c", subcore_axis_name="s", num_cores=1,
        num_subcores=1)
    run = pl.kernel(
        _brain_body,
        mesh=mesh,
        compiler_params=pltpu.CompilerParams(
            needs_layout_passes=False,
            use_tc_tiling_on_sc=False,
            skip_device_barrier=True,
            disable_bounds_checks=True,
            disable_semaphore_checks=True,
        ),
        out_type=jax.ShapeDtypeStruct((2,), jnp.float32),
        scratch_types=[
            pltpu.VMEM((16,), jnp.float32),
            pltpu.VMEM((_SPAD,), jnp.float32),
            pltpu.VMEM((16,), jnp.float32),
            pltpu.VMEM((_SPAD,), jnp.int32),
            pltpu.VMEM((_SPAD,), jnp.int32),
            pltpu.VMEM((16,), jnp.int32),
            pltpu.VMEM((16,), jnp.int32),
            pltpu.VMEM((16,), jnp.int32),
            pltpu.VMEM((_N * 16,), jnp.int32),
            pltpu.VMEM((_WTSZ,), jnp.float32),
            pltpu.VMEM((_NPAD,), jnp.float32),
            pltpu.VMEM((_NPAD,), jnp.float32),
            pltpu.VMEM((_NPAD,), jnp.float32),
            pltpu.VMEM((16,), jnp.float32),
            pltpu.SemaphoreType.DMA,
        ],
    )
    return run(x, synapse_weights, neuron_biases, synapse_indices,
               input_indices, output_indices, non_input_indices, bidx)

# --- scband reference (transcript-rebuilt; emitter-appended) ---
"""Pipeline reference for scband-brain-73942156967974 (READ-ONLY COPY).

The authoritative reference and input builder live on the scoring server;
editing this copy changes nothing except your own understanding.
"""

import jax, jax.numpy as jnp
import numpy as np

NEURON_COUNT = 20
INPUT_SIZE = 4
OUTPUT_SIZE = 2
SYNAPSE_RATIO = 100
N_SYNAPSES = min(NEURON_COUNT * SYNAPSE_RATIO, NEURON_COUNT * (NEURON_COUNT - 1))  # 380


def setup_inputs(seed: int = 0) -> dict:
    key = jax.random.key(seed)
    k1, k2, k3 = jax.random.split(key, 3)
    x = jax.random.normal(k1, (INPUT_SIZE,), dtype=jnp.float32)
    # Build synapse connectivity: sample (without replacement) from all ordered
    # pairs (i, j), i != j -- mirrors multinomial sampling over off-diagonal pairs.
    rows, cols = np.meshgrid(np.arange(NEURON_COUNT), np.arange(NEURON_COUNT), indexing='ij')
    offdiag = rows != cols
    flat_rows = rows[offdiag]
    flat_cols = cols[offdiag]
    perm = np.random.default_rng(0).permutation(flat_rows.shape[0])[:N_SYNAPSES]
    synapse_indices = jnp.asarray(np.stack([flat_rows[perm], flat_cols[perm]]), dtype=jnp.int32)
    # Input neurons = lowest indices, output neurons = highest indices (a fixed
    # realization of the sorted-by-x-coordinate assignment in _initSpatial).
    input_indices = jnp.arange(0, INPUT_SIZE, dtype=jnp.int32)
    output_indices = jnp.arange(NEURON_COUNT - OUTPUT_SIZE, NEURON_COUNT, dtype=jnp.int32)
    non_input_indices = jnp.arange(INPUT_SIZE, NEURON_COUNT, dtype=jnp.int32)
    synapse_weights = jax.random.normal(k2, (N_SYNAPSES,), dtype=jnp.float32)
    neuron_biases = jax.random.normal(k3, (NEURON_COUNT - INPUT_SIZE,), dtype=jnp.float32)
    return {
        'x': x,
        'synapse_weights': synapse_weights,
        'neuron_biases': neuron_biases,
        'synapse_indices': synapse_indices,
        'input_indices': input_indices,
        'output_indices': output_indices,
        'non_input_indices': non_input_indices,
    }


def reference(x, synapse_weights, neuron_biases, synapse_indices, input_indices, output_indices, non_input_indices):
    N = NEURON_COUNT
    dtype = x.dtype
    # neuron_values = zeros; inputs written in-place
    v = jnp.zeros((N,), dtype=dtype).at[input_indices].set(x.flatten())
    # biases are added only to non-input neurons, in ascending index order
    bias_full = jnp.zeros((N,), dtype=dtype).at[non_input_indices].set(neuron_biases)
    # tanh applied to all neurons EXCEPT outputs
    non_output_mask = jnp.ones((N,), dtype=bool).at[output_indices].set(False)
    src = synapse_indices[0]
    dst = synapse_indices[1]
    for _ in range(3):
        # scatter-add message passing: next[to] += v[from] * w (the torch loop)
        nv = jnp.zeros((N,), dtype=dtype).at[dst].add(v[src] * synapse_weights)
        nv = nv + bias_full
        v = jnp.where(non_output_mask, jnp.tanh(nv), nv)
    return v[output_indices]

if __name__ == "__main__":
    import jax
    _d = setup_inputs()
    print(jax.jit(kernel)(*tuple(_d.values())))

</pallas_src>

<mosaic_0001>
#map = affine_map<(d0, d1) -> (0)>
#map1 = affine_map<(d0, d1) -> (0, 0)>
module attributes {stable_mosaic.version = 14 : i64} {
  func.func @_brain_body(%arg0: i32, %arg1: i32, %arg2: memref<4xf32, #tpu.memory_space<hbm>>, %arg3: memref<380xf32, #tpu.memory_space<hbm>>, %arg4: memref<16xf32, #tpu.memory_space<hbm>>, %arg5: memref<2x380xi32, #tpu.memory_space<hbm>>, %arg6: memref<4xi32, #tpu.memory_space<hbm>>, %arg7: memref<2xi32, #tpu.memory_space<hbm>>, %arg8: memref<16xi32, #tpu.memory_space<hbm>>, %arg9: memref<320xi32, #tpu.memory_space<hbm>>, %arg10: memref<2xf32, #tpu.memory_space<hbm>>, %arg11: memref<16xf32, #tpu.memory_space<vmem>>, %arg12: memref<384xf32, #tpu.memory_space<vmem>>, %arg13: memref<16xf32, #tpu.memory_space<vmem>>, %arg14: memref<384xi32, #tpu.memory_space<vmem>>, %arg15: memref<384xi32, #tpu.memory_space<vmem>>, %arg16: memref<16xi32, #tpu.memory_space<vmem>>, %arg17: memref<16xi32, #tpu.memory_space<vmem>>, %arg18: memref<16xi32, #tpu.memory_space<vmem>>, %arg19: memref<320xi32, #tpu.memory_space<vmem>>, %arg20: memref<1024xf32, #tpu.memory_space<vmem>>, %arg21: memref<32xf32, #tpu.memory_space<vmem>>, %arg22: memref<32xf32, #tpu.memory_space<vmem>>, %arg23: memref<32xf32, #tpu.memory_space<vmem>>, %arg24: memref<16xf32, #tpu.memory_space<vmem>>, %arg25: memref<!tpu.dma_semaphore, #tpu.memory_space<semaphore_mem>>) attributes {dimension_semantics = [#tpu.dimension_semantics<core_parallel>, #tpu.dimension_semantics<subcore_parallel>], iteration_bounds = array<i64: 1, 1>, scalar_prefetch = 0 : i64, scratch_operands = 15 : i64, tpu.core_type = #tpu.core_type<sc_vector_subcore>, window_params = [{transform_indices = #map}, {transform_indices = #map}, {transform_indices = #map}, {transform_indices = #map1}, {transform_indices = #map}, {transform_indices = #map}, {transform_indices = #map}, {transform_indices = #map}, {transform_indices = #map}]} {
    %dma_start3A = arith.constant 0 : i32
    %dma_start3A_0 = tpu.memref_slice %arg11[%dma_start3A] : memref<16xf32, #tpu.memory_space<vmem>> -> memref<4xf32, #tpu.memory_space<vmem>>
    %dma_start3A_1 = arith.constant 0 : i32
    %dma_start3A_2 = tpu.memref_slice %arg11[%dma_start3A_1] : memref<16xf32, #tpu.memory_space<vmem>> -> memref<4xf32, #tpu.memory_space<vmem>>
    tpu.enqueue_dma source(%arg2 : memref<4xf32, #tpu.memory_space<hbm>>) target(%dma_start3A_2 : memref<4xf32, #tpu.memory_space<vmem>>) target_semaphore(%arg25 : memref<!tpu.dma_semaphore, #tpu.memory_space<semaphore_mem>>)
    %dma_start3A_3 = arith.constant 0 : i32
    %dma_start3A_4 = tpu.memref_slice %arg12[%dma_start3A_3] : memref<384xf32, #tpu.memory_space<vmem>> -> memref<380xf32, #tpu.memory_space<vmem>>
    %dma_start3A_5 = arith.constant 0 : i32
    %dma_start3A_6 = tpu.memref_slice %arg12[%dma_start3A_5] : memref<384xf32, #tpu.memory_space<vmem>> -> memref<380xf32, #tpu.memory_space<vmem>>
    tpu.enqueue_dma source(%arg3 : memref<380xf32, #tpu.memory_space<hbm>>) target(%dma_start3A_6 : memref<380xf32, #tpu.memory_space<vmem>>) target_semaphore(%arg25 : memref<!tpu.dma_semaphore, #tpu.memory_space<semaphore_mem>>)
    tpu.enqueue_dma source(%arg4 : memref<16xf32, #tpu.memory_space<hbm>>) target(%arg13 : memref<16xf32, #tpu.memory_space<vmem>>) target_semaphore(%arg25 : memref<!tpu.dma_semaphore, #tpu.memory_space<semaphore_mem>>)
    %dma_start3A_7 = arith.constant 0 : i32
    %dma_start3A_8 = arith.constant 0 : i32
    %dma_start3A_9 = tpu.memref_slice %arg14[%dma_start3A_8] : memref<384xi32, #tpu.memory_space<vmem>> -> memref<380xi32, #tpu.memory_space<vmem>>
    %dma_start3A_10 = arith.constant 0 : i32
    %dma_start3A_11 = tpu.memref_slice %arg5[%dma_start3A_7, %dma_start3A_10] : memref<2x380xi32, #tpu.memory_space<hbm>> -> memref<1x380xi32, #tpu.memory_space<hbm>>
    %dma_start3A_12 = tpu.memref_squeeze %dma_start3A_11 : memref<1x380xi32, #tpu.memory_space<hbm>> -> memref<380xi32, #tpu.memory_space<hbm>>
    %dma_start3A_13 = arith.constant 0 : i32
    %dma_start3A_14 = tpu.memref_slice %arg14[%dma_start3A_13] : memref<384xi32, #tpu.memory_space<vmem>> -> memref<380xi32, #tpu.memory_space<vmem>>
    %dma_start3A_15 = arith.constant 0 : i32
    %dma_start3A_16 = tpu.memref_slice %arg5[%dma_start3A_7, %dma_start3A_15] : memref<2x380xi32, #tpu.memory_space<hbm>> -> memref<1x380xi32, #tpu.memory_space<hbm>>
    %dma_start3A_17 = tpu.memref_squeeze %dma_start3A_16 : memref<1x380xi32, #tpu.memory_space<hbm>> -> memref<380xi32, #tpu.memory_space<hbm>>
    tpu.enqueue_dma source(%dma_start3A_17 : memref<380xi32, #tpu.memory_space<hbm>>) target(%dma_start3A_14 : memref<380xi32, #tpu.memory_space<vmem>>) target_semaphore(%arg25 : memref<!tpu.dma_semaphore, #tpu.memory_space<semaphore_mem>>)
    %dma_start3A_18 = arith.constant 1 : i32
    %dma_start3A_19 = arith.constant 0 : i32
    %dma_start3A_20 = tpu.memref_slice %arg15[%dma_start3A_19] : memref<384xi32, #tpu.memory_space<vmem>> -> memref<380xi32, #tpu.memory_space<vmem>>
    %dma_start3A_21 = arith.constant 0 : i32
    %dma_start3A_22 = tpu.memref_slice %arg5[%dma_start3A_18, %dma_start3A_21] : memref<2x380xi32, #tpu.memory_space<hbm>> -> memref<1x380xi32, #tpu.memory_space<hbm>>
    %dma_start3A_23 = tpu.memref_squeeze %dma_start3A_22 : memref<1x380xi32, #tpu.memory_space<hbm>> -> memref<380xi32, #tpu.memory_space<hbm>>
    %dma_start3A_24 = arith.constant 0 : i32
    %dma_start3A_25 = tpu.memref_slice %arg15[%dma_start3A_24] : memref<384xi32, #tpu.memory_space<vmem>> -> memref<380xi32, #tpu.memory_space<vmem>>
    %dma_start3A_26 = arith.constant 0 : i32
    %dma_start3A_27 = tpu.memref_slice %arg5[%dma_start3A_18, %dma_start3A_26] : memref<2x380xi32, #tpu.memory_space<hbm>> -> memref<1x380xi32, #tpu.memory_space<hbm>>
    %dma_start3A_28 = tpu.memref_squeeze %dma_start3A_27 : memref<1x380xi32, #tpu.memory_space<hbm>> -> memref<380xi32, #tpu.memory_space<hbm>>
    tpu.enqueue_dma source(%dma_start3A_28 : memref<380xi32, #tpu.memory_space<hbm>>) target(%dma_start3A_25 : memref<380xi32, #tpu.memory_space<vmem>>) target_semaphore(%arg25 : memref<!tpu.dma_semaphore, #tpu.memory_space<semaphore_mem>>)
    %dma_start3A_29 = arith.constant 0 : i32
    %dma_start3A_30 = tpu.memref_slice %arg16[%dma_start3A_29] : memref<16xi32, #tpu.memory_space<vmem>> -> memref<4xi32, #tpu.memory_space<vmem>>
    %dma_start3A_31 = arith.constant 0 : i32
    %dma_start3A_32 = tpu.memref_slice %arg16[%dma_start3A_31] : memref<16xi32, #tpu.memory_space<vmem>> -> memref<4xi32, #tpu.memory_space<vmem>>
    tpu.enqueue_dma source(%arg6 : memref<4xi32, #tpu.memory_space<hbm>>) target(%dma_start3A_32 : memref<4xi32, #tpu.memory_space<vmem>>) target_semaphore(%arg25 : memref<!tpu.dma_semaphore, #tpu.memory_space<semaphore_mem>>)
    %dma_start3A_33 = arith.constant 0 : i32
    %dma_start3A_34 = tpu.memref_slice %arg17[%dma_start3A_33] : memref<16xi32, #tpu.memory_space<vmem>> -> memref<2xi32, #tpu.memory_space<vmem>>
    %dma_start3A_35 = arith.constant 0 : i32
    %dma_start3A_36 = tpu.memref_slice %arg17[%dma_start3A_35] : memref<16xi32, #tpu.memory_space<vmem>> -> memref<2xi32, #tpu.memory_space<vmem>>
    tpu.enqueue_dma source(%arg7 : memref<2xi32, #tpu.memory_space<hbm>>) target(%dma_start3A_36 : memref<2xi32, #tpu.memory_space<vmem>>) target_semaphore(%arg25 : memref<!tpu.dma_semaphore, #tpu.memory_space<semaphore_mem>>)
    tpu.enqueue_dma source(%arg8 : memref<16xi32, #tpu.memory_space<hbm>>) target(%arg18 : memref<16xi32, #tpu.memory_space<vmem>>) target_semaphore(%arg25 : memref<!tpu.dma_semaphore, #tpu.memory_space<semaphore_mem>>)
    tpu.enqueue_dma source(%arg9 : memref<320xi32, #tpu.memory_space<hbm>>) target(%arg19 : memref<320xi32, #tpu.memory_space<vmem>>) target_semaphore(%arg25 : memref<!tpu.dma_semaphore, #tpu.memory_space<semaphore_mem>>)
    %broadcast_in_dim3A = arith.constant 0.000000e+00 : f32
    %broadcast_in_dim3A_37 = vector.broadcast %broadcast_in_dim3A : f32 to vector<16xf32>
    %broadcast_in_dim3A_38 = arith.constant 1.000000e+00 : f32
    %broadcast_in_dim3A_39 = vector.broadcast %broadcast_in_dim3A_38 : f32 to vector<16xf32>
    %swap3A = arith.constant 0 : index
    %swap3A_40 = tpu.vector_load %arg20[%swap3A] {strides = array<i32>} : memref<1024xf32, #tpu.memory_space<vmem>>, vector<16xf32>,
    tpu.vector_store %arg20[%swap3A], %broadcast_in_dim3A_37 {strides = array<i32>} : memref<1024xf32, #tpu.memory_space<vmem>>, vector<16xf32>,
    %swap3A_41 = arith.constant 16 : index
    %swap3A_42 = tpu.vector_load %arg20[%swap3A_41] {strides = array<i32>} : memref<1024xf32, #tpu.memory_space<vmem>>, vector<16xf32>,
    tpu.vector_store %arg20[%swap3A_41], %broadcast_in_dim3A_37 {strides = array<i32>} : memref<1024xf32, #tpu.memory_space<vmem>>, vector<16xf32>,
    %swap3A_43 = arith.constant 32 : index
    %swap3A_44 = tpu.vector_load %arg20[%swap3A_43] {strides = array<i32>} : memref<1024xf32, #tpu.memory_space<vmem>>, vector<16xf32>,
    tpu.vector_store %arg20[%swap3A_43], %broadcast_in_dim3A_37 {strides = array<i32>} : memref<1024xf32, #tpu.memory_space<vmem>>, vector<16xf32>,
    %swap3A_45 = arith.constant 48 : index
    %swap3A_46 = tpu.vector_load %arg20[%swap3A_45] {strides = array<i32>} : memref<1024xf32, #tpu.memory_space<vmem>>, vector<16xf32>,
    tpu.vector_store %arg20[%swap3A_45], %broadcast_in_dim3A_37 {strides = array<i32>} : memref<1024xf32, #tpu.memory_space<vmem>>, vector<16xf32>,
    %swap3A_47 = arith.constant 64 : index
    %swap3A_48 = tpu.vector_load %arg20[%swap3A_47] {strides = array<i32>} : memref<1024xf32, #tpu.memory_space<vmem>>, vector<16xf32>,
    tpu.vector_store %arg20[%swap3A_47], %broadcast_in_dim3A_37 {strides = array<i32>} : memref<1024xf32, #tpu.memory_space<vmem>>, vector<16xf32>,
    %swap3A_49 = arith.constant 80 : index
    %swap3A_50 = tpu.vector_load %arg20[%swap3A_49] {strides = array<i32>} : memref<1024xf32, #tpu.memory_space<vmem>>, vector<16xf32>,
    tpu.vector_store %arg20[%swap3A_49], %broadcast_in_dim3A_37 {strides = array<i32>} : memref<1024xf32, #tpu.memory_space<vmem>>, vector<16xf32>,
    %swap3A_51 = arith.constant 96 : index
    %swap3A_52 = tpu.vector_load %arg20[%swap3A_51] {strides = array<i32>} : memref<1024xf32, #tpu.memory_space<vmem>>, vector<16xf32>,
    tpu.vector_store %arg20[%swap3A_51], %broadcast_in_dim3A_37 {strides = array<i32>} : memref<1024xf32, #tpu.memory_space<vmem>>, vector<16xf32>,
    %swap3A_53 = arith.constant 112 : index
    %swap3A_54 = tpu.vector_load %arg20[%swap3A_53] {strides = array<i32>} : memref<1024xf32, #tpu.memory_space<vmem>>, vector<16xf32>,
    tpu.vector_store %arg20[%swap3A_53], %broadcast_in_dim3A_37 {strides = array<i32>} : memref<1024xf32, #tpu.memory_space<vmem>>, vector<16xf32>,
    %swap3A_55 = arith.constant 128 : index
    %swap3A_56 = tpu.vector_load %arg20[%swap3A_55] {strides = array<i32>} : memref<1024xf32, #tpu.memory_space<vmem>>, vector<16xf32>,
    tpu.vector_store %arg20[%swap3A_55], %broadcast_in_dim3A_37 {strides = array<i32>} : memref<1024xf32, #tpu.memory_space<vmem>>, vector<16xf32>,
    %swap3A_57 = arith.constant 144 : index
    %swap3A_58 = tpu.vector_load %arg20[%swap3A_57] {strides = array<i32>} : memref<1024xf32, #tpu.memory_space<vmem>>, vector<16xf32>,
    tpu.vector_store %arg20[%swap3A_57], %broadcast_in_dim3A_37 {strides = array<i32>} : memref<1024xf32, #tpu.memory_space<vmem>>, vector<16xf32>,
    %swap3A_59 = arith.constant 160 : index
    %swap3A_60 = tpu.vector_load %arg20[%swap3A_59] {strides = array<i32>} : memref<1024xf32, #tpu.memory_space<vmem>>, vector<16xf32>,
    tpu.vector_store %arg20[%swap3A_59], %broadcast_in_dim3A_37 {strides = array<i32>} : memref<1024xf32, #tpu.memory_space<vmem>>, vector<16xf32>,
    %swap3A_61 = arith.constant 176 : index
    %swap3A_62 = tpu.vector_load %arg20[%swap3A_61] {strides = array<i32>} : memref<1024xf32, #tpu.memory_space<vmem>>, vector<16xf32>,
    tpu.vector_store %arg20[%swap3A_61], %broadcast_in_dim3A_37 {strides = array<i32>} : memref<1024xf32, #tpu.memory_space<vmem>>, vector<16xf32>,
    %swap3A_63 = arith.constant 192 : index
    %swap3A_64 = tpu.vector_load %arg20[%swap3A_63] {strides = array<i32>} : memref<1024xf32, #tpu.memory_space<vmem>>, vector<16xf32>,
    tpu.vector_store %arg20[%swap3A_63], %broadcast_in_dim3A_37 {strides = array<i32>} : memref<1024xf32, #tpu.memory_space<vmem>>, vector<16xf32>,
    %swap3A_65 = arith.constant 208 : index
    %swap3A_66 = tpu.vector_load %arg20[%swap3A_65] {strides = array<i32>} : memref<1024xf32, #tpu.memory_space<vmem>>, vector<16xf32>,
    tpu.vector_store %arg20[%swap3A_65], %broadcast_in_dim3A_37 {strides = array<i32>} : memref<1024xf32, #tpu.memory_space<vmem>>, vector<16xf32>,
    %swap3A_67 = arith.constant 224 : index
    %swap3A_68 = tpu.vector_load %arg20[%swap3A_67] {strides = array<i32>} : memref<1024xf32, #tpu.memory_space<vmem>>, vector<16xf32>,
    tpu.vector_store %arg20[%swap3A_67], %broadcast_in_dim3A_37 {strides = array<i32>} : memref<1024xf32, #tpu.memory_space<vmem>>, vector<16xf32>,
    %swap3A_69 = arith.constant 240 : index
    %swap3A_70 = tpu.vector_load %arg20[%swap3A_69] {strides = array<i32>} : memref<1024xf32, #tpu.memory_space<vmem>>, vector<16xf32>,
    tpu.vector_store %arg20[%swap3A_69], %broadcast_in_dim3A_37 {strides = array<i32>} : memref<1024xf32, #tpu.memory_space<vmem>>, vector<16xf32>,
    %swap3A_71 = arith.constant 256 : index
    %swap3A_72 = tpu.vector_load %arg20[%swap3A_71] {strides = array<i32>} : memref<1024xf32, #tpu.memory_space<vmem>>, vector<16xf32>,
    tpu.vector_store %arg20[%swap3A_71], %broadcast_in_dim3A_37 {strides = array<i32>} : memref<1024xf32, #tpu.memory_space<vmem>>, vector<16xf32>,
    %swap3A_73 = arith.constant 272 : index
    %swap3A_74 = tpu.vector_load %arg20[%swap3A_73] {strides = array<i32>} : memref<1024xf32, #tpu.memory_space<vmem>>, vector<16xf32>,
    tpu.vector_store %arg20[%swap3A_73], %broadcast_in_dim3A_37 {strides = array<i32>} : memref<1024xf32, #tpu.memory_space<vmem>>, vector<16xf32>,
    %swap3A_75 = arith.constant 288 : index
    %swap3A_76 = tpu.vector_load %arg20[%swap3A_75] {strides = array<i32>} : memref<1024xf32, #tpu.memory_space<vmem>>, vector<16xf32>,
    tpu.vector_store %arg20[%swap3A_75], %broadcast_in_dim3A_37 {strides = array<i32>} : memref<1024xf32, #tpu.memory_space<vmem>>, vector<16xf32>,
    %swap3A_77 = arith.constant 304 : index
    %swap3A_78 = tpu.vector_load %arg20[%swap3A_77] {strides = array<i32>} : memref<1024xf32, #tpu.memory_space<vmem>>, vector<16xf32>,
    tpu.vector_store %arg20[%swap3A_77], %broadcast_in_dim3A_37 {strides = array<i32>} : memref<1024xf32, #tpu.memory_space<vmem>>, vector<16xf32>,
    %swap3A_79 = arith.constant 320 : index
    %swap3A_80 = tpu.vector_load %arg20[%swap3A_79] {strides = array<i32>} : memref<1024xf32, #tpu.memory_space<vmem>>, vector<16xf32>,
    tpu.vector_store %arg20[%swap3A_79], %broadcast_in_dim3A_37 {strides = array<i32>} : memref<1024xf32, #tpu.memory_space<vmem>>, vector<16xf32>,
    %swap3A_81 = arith.constant 336 : index
    %swap3A_82 = tpu.vector_load %arg20[%swap3A_81] {strides = array<i32>} : memref<1024xf32, #tpu.memory_space<vmem>>, vector<16xf32>,
    tpu.vector_store %arg20[%swap3A_81], %broadcast_in_dim3A_37 {strides = array<i32>} : memref<1024xf32, #tpu.memory_space<vmem>>, vector<16xf32>,
    %swap3A_83 = arith.constant 352 : index
    %swap3A_84 = tpu.vector_load %arg20[%swap3A_83] {strides = array<i32>} : memref<1024xf32, #tpu.memory_space<vmem>>, vector<16xf32>,
    tpu.vector_store %arg20[%swap3A_83], %broadcast_in_dim3A_37 {strides = array<i32>} : memref<1024xf32, #tpu.memory_space<vmem>>, vector<16xf32>,
    %swap3A_85 = arith.constant 368 : index
    %swap3A_86 = tpu.vector_load %arg20[%swap3A_85] {strides = array<i32>} : memref<1024xf32, #tpu.memory_space<vmem>>, vector<16xf32>,
    tpu.vector_store %arg20[%swap3A_85], %broadcast_in_dim3A_37 {strides = array<i32>} : memref<1024xf32, #tpu.memory_space<vmem>>, vector<16xf32>,
    %swap3A_87 = arith.constant 384 : index
    %swap3A_88 = tpu.vector_load %arg20[%swap3A_87] {strides = array<i32>} : memref<1024xf32, #tpu.memory_space<vmem>>, vector<16xf32>,
    tpu.vector_store %arg20[%swap3A_87], %broadcast_in_dim3A_37 {strides = array<i32>} : memref<1024xf32, #tpu.memory_space<vmem>>, vector<16xf32>,
    %swap3A_89 = arith.constant 400 : index
    %swap3A_90 = tpu.vector_load %arg20[%swap3A_89] {strides = array<i32>} : memref<1024xf32, #tpu.memory_space<vmem>>, vector<16xf32>,
    tpu.vector_store %arg20[%swap3A_89], %broadcast_in_dim3A_37 {strides = array<i32>} : memref<1024xf32, #tpu.memory_space<vmem>>, vector<16xf32>,
    %swap3A_91 = arith.constant 416 : index
    %swap3A_92 = tpu.vector_load %arg20[%swap3A_91] {strides = array<i32>} : memref<1024xf32, #tpu.memory_space<vmem>>, vector<16xf32>,
    tpu.vector_store %arg20[%swap3A_91], %broadcast_in_dim3A_37 {strides = array<i32>} : memref<1024xf32, #tpu.memory_space<vmem>>, vector<16xf32>,
    %swap3A_93 = arith.constant 432 : index
    %swap3A_94 = tpu.vector_load %arg20[%swap3A_93] {strides = array<i32>} : memref<1024xf32, #tpu.memory_space<vmem>>, vector<16xf32>,
    tpu.vector_store %arg20[%swap3A_93], %broadcast_in_dim3A_37 {strides = array<i32>} : memref<1024xf32, #tpu.memory_space<vmem>>, vector<16xf32>,
    %swap3A_95 = arith.constant 448 : index
    %swap3A_96 = tpu.vector_load %arg20[%swap3A_95] {strides = array<i32>} : memref<1024xf32, #tpu.memory_space<vmem>>, vector<16xf32>,
    tpu.vector_store %arg20[%swap3A_95], %broadcast_in_dim3A_37 {strides = array<i32>} : memref<1024xf32, #tpu.memory_space<vmem>>, vector<16xf32>,
    %swap3A_97 = arith.constant 464 : index
    %swap3A_98 = tpu.vector_load %arg20[%swap3A_97] {strides = array<i32>} : memref<1024xf32, #tpu.memory_space<vmem>>, vector<16xf32>,
    tpu.vector_store %arg20[%swap3A_97], %broadcast_in_dim3A_37 {strides = array<i32>} : memref<1024xf32, #tpu.memory_space<vmem>>, vector<16xf32>,
    %swap3A_99 = arith.constant 480 : index
    %swap3A_100 = tpu.vector_load %arg20[%swap3A_99] {strides = array<i32>} : memref<1024xf32, #tpu.memory_space<vmem>>, vector<16xf32>,
    tpu.vector_store %arg20[%swap3A_99], %broadcast_in_dim3A_37 {strides = array<i32>} : memref<1024xf32, #tpu.memory_space<vmem>>, vector<16xf32>,
    %swap3A_101 = arith.constant 496 : index
    %swap3A_102 = tpu.vector_load %arg20[%swap3A_101] {strides = array<i32>} : memref<1024xf32, #tpu.memory_space<vmem>>, vector<16xf32>,
    tpu.vector_store %arg20[%swap3A_101], %broadcast_in_dim3A_37 {strides = array<i32>} : memref<1024xf32, #tpu.memory_space<vmem>>, vector<16xf32>,
    %swap3A_103 = arith.constant 512 : index
    %swap3A_104 = tpu.vector_load %arg20[%swap3A_103] {strides = array<i32>} : memref<1024xf32, #tpu.memory_space<vmem>>, vector<16xf32>,
    tpu.vector_store %arg20[%swap3A_103], %broadcast_in_dim3A_37 {strides = array<i32>} : memref<1024xf32, #tpu.memory_space<vmem>>, vector<16xf32>,
    %swap3A_105 = arith.constant 528 : index
    %swap3A_106 = tpu.vector_load %arg20[%swap3A_105] {strides = array<i32>} : memref<1024xf32, #tpu.memory_space<vmem>>, vector<16xf32>,
    tpu.vector_store %arg20[%swap3A_105], %broadcast_in_dim3A_37 {strides = array<i32>} : memref<1024xf32, #tpu.memory_space<vmem>>, vector<16xf32>,
    %swap3A_107 = arith.constant 544 : index
    %swap3A_108 = tpu.vector_load %arg20[%swap3A_107] {strides = array<i32>} : memref<1024xf32, #tpu.memory_space<vmem>>, vector<16xf32>,
    tpu.vector_store %arg20[%swap3A_107], %broadcast_in_dim3A_37 {strides = array<i32>} : memref<1024xf32, #tpu.memory_space<vmem>>, vector<16xf32>,
    %swap3A_109 = arith.constant 560 : index
    %swap3A_110 = tpu.vector_load %arg20[%swap3A_109] {strides = array<i32>} : memref<1024xf32, #tpu.memory_space<vmem>>, vector<16xf32>,
    tpu.vector_store %arg20[%swap3A_109], %broadcast_in_dim3A_37 {strides = array<i32>} : memref<1024xf32, #tpu.memory_space<vmem>>, vector<16xf32>,
    %swap3A_111 = arith.constant 576 : index
    %swap3A_112 = tpu.vector_load %arg20[%swap3A_111] {strides = array<i32>} : memref<1024xf32, #tpu.memory_space<vmem>>, vector<16xf32>,
    tpu.vector_store %arg20[%swap3A_111], %broadcast_in_dim3A_37 {strides = array<i32>} : memref<1024xf32, #tpu.memory_space<vmem>>, vector<16xf32>,
    %swap3A_113 = arith.constant 592 : index
    %swap3A_114 = tpu.vector_load %arg20[%swap3A_113] {strides = array<i32>} : memref<1024xf32, #tpu.memory_space<vmem>>, vector<16xf32>,
    tpu.vector_store %arg20[%swap3A_113], %broadcast_in_dim3A_37 {strides = array<i32>} : memref<1024xf32, #tpu.memory_space<vmem>>, vector<16xf32>,
    %swap3A_115 = arith.constant 608 : index
    %swap3A_116 = tpu.vector_load %arg20[%swap3A_115] {strides = array<i32>} : memref<1024xf32, #tpu.memory_space<vmem>>, vector<16xf32>,
    tpu.vector_store %arg20[%swap3A_115], %broadcast_in_dim3A_37 {strides = array<i32>} : memref<1024xf32, #tpu.memory_space<vmem>>, vector<16xf32>,
    %swap3A_117 = arith.constant 624 : index
    %swap3A_118 = tpu.vector_load %arg20[%swap3A_117] {strides = array<i32>} : memref<1024xf32, #tpu.memory_space<vmem>>, vector<16xf32>,
    tpu.vector_store %arg20[%swap3A_117], %broadcast_in_dim3A_37 {strides = array<i32>} : memref<1024xf32, #tpu.memory_space<vmem>>, vector<16xf32>,
    %swap3A_119 = arith.constant 0 : index
    %swap3A_120 = tpu.vector_load %arg21[%swap3A_119] {strides = array<i32>} : memref<32xf32, #tpu.memory_space<vmem>>, vector<16xf32>,
    tpu.vector_store %arg21[%swap3A_119], %broadcast_in_dim3A_37 {strides = array<i32>} : memref<32xf32, #tpu.memory_space<vmem>>, vector<16xf32>,
    %swap3A_121 = arith.constant 16 : index
    %swap3A_122 = tpu.vector_load %arg21[%swap3A_121] {strides = array<i32>} : memref<32xf32, #tpu.memory_space<vmem>>, vector<16xf32>,
    tpu.vector_store %arg21[%swap3A_121], %broadcast_in_dim3A_37 {strides = array<i32>} : memref<32xf32, #tpu.memory_space<vmem>>, vector<16xf32>,
    %swap3A_123 = arith.constant 0 : index
    %swap3A_124 = tpu.vector_load %arg22[%swap3A_123] {strides = array<i32>} : memref<32xf32, #tpu.memory_space<vmem>>, vector<16xf32>,
    tpu.vector_store %arg22[%swap3A_123], %broadcast_in_dim3A_37 {strides = array<i32>} : memref<32xf32, #tpu.memory_space<vmem>>, vector<16xf32>,
    %swap3A_125 = arith.constant 16 : index
    %swap3A_126 = tpu.vector_load %arg22[%swap3A_125] {strides = array<i32>} : memref<32xf32, #tpu.memory_space<vmem>>, vector<16xf32>,
    tpu.vector_store %arg22[%swap3A_125], %broadcast_in_dim3A_37 {strides = array<i32>} : memref<32xf32, #tpu.memory_space<vmem>>, vector<16xf32>,
    %swap3A_127 = arith.constant 0 : index
    %swap3A_128 = tpu.vector_load %arg23[%swap3A_127] {strides = array<i32>} : memref<32xf32, #tpu.memory_space<vmem>>, vector<16xf32>,
    tpu.vector_store %arg23[%swap3A_127], %broadcast_in_dim3A_39 {strides = array<i32>} : memref<32xf32, #tpu.memory_space<vmem>>, vector<16xf32>,
    %swap3A_129 = arith.constant 16 : index
    %swap3A_130 = tpu.vector_load %arg23[%swap3A_129] {strides = array<i32>} : memref<32xf32, #tpu.memory_space<vmem>>, vector<16xf32>,
    tpu.vector_store %arg23[%swap3A_129], %broadcast_in_dim3A_39 {strides = array<i32>} : memref<32xf32, #tpu.memory_space<vmem>>, vector<16xf32>,
    %dma_wait3A = arith.constant 0 : i32
    %dma_wait3A_131 = tpu.memref_slice %arg11[%dma_wait3A] : memref<16xf32, #tpu.memory_space<vmem>> -> memref<4xf32, #tpu.memory_space<vmem>>
    %dma_wait3A_132 = arith.constant 0 : i32
    %dma_wait3A_133 = tpu.memref_slice %arg11[%dma_wait3A_132] : memref<16xf32, #tpu.memory_space<vmem>> -> memref<4xf32, #tpu.memory_space<vmem>>
    tpu.wait_dma2 semaphore(%arg25 : memref<!tpu.dma_semaphore, #tpu.memory_space<semaphore_mem>>) src(%arg2 : memref<4xf32, #tpu.memory_space<hbm>>) dst(%dma_wait3A_133 : memref<4xf32, #tpu.memory_space<vmem>>)
    %dma_wait3A_134 = arith.constant 0 : i32
    %dma_wait3A_135 = tpu.memref_slice %arg12[%dma_wait3A_134] : memref<384xf32, #tpu.memory_space<vmem>> -> memref<380xf32, #tpu.memory_space<vmem>>
    %dma_wait3A_136 = arith.constant 0 : i32
    %dma_wait3A_137 = tpu.memref_slice %arg12[%dma_wait3A_136] : memref<384xf32, #tpu.memory_space<vmem>> -> memref<380xf32, #tpu.memory_space<vmem>>
    tpu.wait_dma2 semaphore(%arg25 : memref<!tpu.dma_semaphore, #tpu.memory_space<semaphore_mem>>) src(%arg3 : memref<380xf32, #tpu.memory_space<hbm>>) dst(%dma_wait3A_137 : memref<380xf32, #tpu.memory_space<vmem>>)
    tpu.wait_dma2 semaphore(%arg25 : memref<!tpu.dma_semaphore, #tpu.memory_space<semaphore_mem>>) src(%arg4 : memref<16xf32, #tpu.memory_space<hbm>>) dst(%arg13 : memref<16xf32, #tpu.memory_space<vmem>>)
    %dma_wait3A_138 = arith.constant 0 : i32
    %dma_wait3A_139 = arith.constant 0 : i32
    %dma_wait3A_140 = tpu.memref_slice %arg14[%dma_wait3A_139] : memref<384xi32, #tpu.memory_space<vmem>> -> memref<380xi32, #tpu.memory_space<vmem>>
    %dma_wait3A_141 = arith.constant 0 : i32
    %dma_wait3A_142 = tpu.memref_slice %arg5[%dma_wait3A_138, %dma_wait3A_141] : memref<2x380xi32, #tpu.memory_space<hbm>> -> memref<1x380xi32, #tpu.memory_space<hbm>>
    %dma_wait3A_143 = tpu.memref_squeeze %dma_wait3A_142 : memref<1x380xi32, #tpu.memory_space<hbm>> -> memref<380xi32, #tpu.memory_space<hbm>>
    %dma_wait3A_144 = arith.constant 0 : i32
    %dma_wait3A_145 = tpu.memref_slice %arg14[%dma_wait3A_144] : memref<384xi32, #tpu.memory_space<vmem>> -> memref<380xi32, #tpu.memory_space<vmem>>
    %dma_wait3A_146 = arith.constant 0 : i32
    %dma_wait3A_147 = tpu.memref_slice %arg5[%dma_wait3A_138, %dma_wait3A_146] : memref<2x380xi32, #tpu.memory_space<hbm>> -> memref<1x380xi32, #tpu.memory_space<hbm>>
    %dma_wait3A_148 = tpu.memref_squeeze %dma_wait3A_147 : memref<1x380xi32, #tpu.memory_space<hbm>> -> memref<380xi32, #tpu.memory_space<hbm>>
    tpu.wait_dma2 semaphore(%arg25 : memref<!tpu.dma_semaphore, #tpu.memory_space<semaphore_mem>>) src(%dma_wait3A_148 : memref<380xi32, #tpu.memory_space<hbm>>) dst(%dma_wait3A_145 : memref<380xi32, #tpu.memory_space<vmem>>)
    %dma_wait3A_149 = arith.constant 1 : i32
    %dma_wait3A_150 = arith.constant 0 : i32
    %dma_wait3A_151 = tpu.memref_slice %arg15[%dma_wait3A_150] : memref<384xi32, #tpu.memory_space<vmem>> -> memref<380xi32, #tpu.memory_space<vmem>>
    %dma_wait3A_152 = arith.constant 0 : i32
    %dma_wait3A_153 = tpu.memref_slice %arg5[%dma_wait3A_149, %dma_wait3A_152] : memref<2x380xi32, #tpu.memory_space<hbm>> -> memref<1x380xi32, #tpu.memory_space<hbm>>
    %dma_wait3A_154 = tpu.memref_squeeze %dma_wait3A_153 : memref<1x380xi32, #tpu.memory_space<hbm>> -> memref<380xi32, #tpu.memory_space<hbm>>
    %dma_wait3A_155 = arith.constant 0 : i32
    %dma_wait3A_156 = tpu.memref_slice %arg15[%dma_wait3A_155] : memref<384xi32, #tpu.memory_space<vmem>> -> memref<380xi32, #tpu.memory_space<vmem>>
    %dma_wait3A_157 = arith.constant 0 : i32
    %dma_wait3A_158 = tpu.memref_slice %arg5[%dma_wait3A_149, %dma_wait3A_157] : memref<2x380xi32, #tpu.memory_space<hbm>> -> memref<1x380xi32, #tpu.memory_space<hbm>>
    %dma_wait3A_159 = tpu.memref_squeeze %dma_wait3A_158 : memref<1x380xi32, #tpu.memory_space<hbm>> -> memref<380xi32, #tpu.memory_space<hbm>>
    tpu.wait_dma2 semaphore(%arg25 : memref<!tpu.dma_semaphore, #tpu.memory_space<semaphore_mem>>) src(%dma_wait3A_159 : memref<380xi32, #tpu.memory_space<hbm>>) dst(%dma_wait3A_156 : memref<380xi32, #tpu.memory_space<vmem>>)
    %dma_wait3A_160 = arith.constant 0 : i32
    %dma_wait3A_161 = tpu.memref_slice %arg16[%dma_wait3A_160] : memref<16xi32, #tpu.memory_space<vmem>> -> memref<4xi32, #tpu.memory_space<vmem>>
    %dma_wait3A_162 = arith.constant 0 : i32
    %dma_wait3A_163 = tpu.memref_slice %arg16[%dma_wait3A_162] : memref<16xi32, #tpu.memory_space<vmem>> -> memref<4xi32, #tpu.memory_space<vmem>>
    tpu.wait_dma2 semaphore(%arg25 : memref<!tpu.dma_semaphore, #tpu.memory_space<semaphore_mem>>) src(%arg6 : memref<4xi32, #tpu.memory_space<hbm>>) dst(%dma_wait3A_163 : memref<4xi32, #tpu.memory_space<vmem>>)
    %dma_wait3A_164 = arith.constant 0 : i32
    %dma_wait3A_165 = tpu.memref_slice %arg17[%dma_wait3A_164] : memref<16xi32, #tpu.memory_space<vmem>> -> memref<2xi32, #tpu.memory_space<vmem>>
    %dma_wait3A_166 = arith.constant 0 : i32
    %dma_wait3A_167 = tpu.memref_slice %arg17[%dma_wait3A_166] : memref<16xi32, #tpu.memory_space<vmem>> -> memref<2xi32, #tpu.memory_space<vmem>>
    tpu.wait_dma2 semaphore(%arg25 : memref<!tpu.dma_semaphore, #tpu.memory_space<semaphore_mem>>) src(%arg7 : memref<2xi32, #tpu.memory_space<hbm>>) dst(%dma_wait3A_167 : memref<2xi32, #tpu.memory_space<vmem>>)
    tpu.wait_dma2 semaphore(%arg25 : memref<!tpu.dma_semaphore, #tpu.memory_space<semaphore_mem>>) src(%arg8 : memref<16xi32, #tpu.memory_space<hbm>>) dst(%arg18 : memref<16xi32, #tpu.memory_space<vmem>>)
    tpu.wait_dma2 semaphore(%arg25 : memref<!tpu.dma_semaphore, #tpu.memory_space<semaphore_mem>>) src(%arg9 : memref<320xi32, #tpu.memory_space<hbm>>) dst(%arg19 : memref<320xi32, #tpu.memory_space<vmem>>)
    %iota3A = tpu.iota {dimensions = array<i32: 0>} : vector<16xi32>
    %get3A = arith.constant 0 : index
    %get3A_168 = tpu.vector_load %arg16[%get3A] {strides = array<i32>} : memref<16xi32, #tpu.memory_space<vmem>>, vector<16xi32>,
    %get3A_169 = arith.constant 0 : index
    %get3A_170 = tpu.vector_load %arg11[%get3A_169] {strides = array<i32>} : memref<16xf32, #tpu.memory_space<vmem>>, vector<16xf32>,
    %lt3A = arith.constant 4 : i32
    %lt3A_171 = vector.broadcast %lt3A : i32 to vector<16xi32>
    %lt3A_172 = arith.cmpi slt, %iota3A, %lt3A_171 : vector<16xi32>
    tpu.vector_store_idx %arg21[%get3A_168], %get3A_170 masked %lt3A_172 : memref<32xf32, #tpu.memory_space<vmem>>[vector<16xi32>], vector<16xf32>, vector<16xi1>
    %get3A_173 = arith.constant 0 : index
    %get3A_174 = tpu.vector_load %arg18[%get3A_173] {strides = array<i32>} : memref<16xi32, #tpu.memory_space<vmem>>, vector<16xi32>,
    %get3A_175 = arith.constant 0 : index
    %get3A_176 = tpu.vector_load %arg13[%get3A_175] {strides = array<i32>} : memref<16xf32, #tpu.memory_space<vmem>>, vector<16xf32>,
    tpu.vector_store_idx %arg22[%get3A_174], %get3A_176 : memref<32xf32, #tpu.memory_space<vmem>>[vector<16xi32>], vector<16xf32>,
    %get3A_177 = arith.constant 0 : index
    %get3A_178 = tpu.vector_load %arg17[%get3A_177] {strides = array<i32>} : memref<16xi32, #tpu.memory_space<vmem>>, vector<16xi32>,
    %lt3A_179 = arith.constant 2 : i32
    %lt3A_180 = vector.broadcast %lt3A_179 : i32 to vector<16xi32>
    %lt3A_181 = arith.cmpi slt, %iota3A, %lt3A_180 : vector<16xi32>
    tpu.vector_store_idx %arg23[%get3A_178], %broadcast_in_dim3A_37 masked %lt3A_181 : memref<32xf32, #tpu.memory_space<vmem>>[vector<16xi32>], vector<16xf32>, vector<16xi1>
    %get3A_182 = arith.constant 0 : index
    %get3A_183 = tpu.vector_load %arg14[%get3A_182] {strides = array<i32>} : memref<384xi32, #tpu.memory_space<vmem>>, vector<16xi32>,
    %get3A_184 = arith.constant 0 : index
    %get3A_185 = tpu.vector_load %arg15[%get3A_184] {strides = array<i32>} : memref<384xi32, #tpu.memory_space<vmem>>, vector<16xi32>,
    %mul3A = arith.constant 32 : i32
    %mul3A_186 = vector.broadcast %mul3A : i32 to vector<16xi32>
    %mul3A_187 = arith.muli %get3A_183, %mul3A_186 : vector<16xi32>
    %add3A = arith.addi %mul3A_187, %get3A_185 : vector<16xi32>
    %get3A_188 = arith.constant 0 : index
    %get3A_189 = tpu.vector_load %arg12[%get3A_188] {strides = array<i32>} : memref<384xf32, #tpu.memory_space<vmem>>, vector<16xf32>,
    tpu.vector_store_idx %arg20[%add3A], %get3A_189 : memref<1024xf32, #tpu.memory_space<vmem>>[vector<16xi32>], vector<16xf32>,
    %get3A_190 = arith.constant 16 : index
    %get3A_191 = tpu.vector_load %arg14[%get3A_190] {strides = array<i32>} : memref<384xi32, #tpu.memory_space<vmem>>, vector<16xi32>,
    %get3A_192 = arith.constant 16 : index
    %get3A_193 = tpu.vector_load %arg15[%get3A_192] {strides = array<i32>} : memref<384xi32, #tpu.memory_space<vmem>>, vector<16xi32>,
    %mul3A_194 = arith.constant 32 : i32
    %mul3A_195 = vector.broadcast %mul3A_194 : i32 to vector<16xi32>
    %mul3A_196 = arith.muli %get3A_191, %mul3A_195 : vector<16xi32>
    %add3A_197 = arith.addi %mul3A_196, %get3A_193 : vector<16xi32>
    %get3A_198 = arith.constant 16 : index
    %get3A_199 = tpu.vector_load %arg12[%get3A_198] {strides = array<i32>} : memref<384xf32, #tpu.memory_space<vmem>>, vector<16xf32>,
    tpu.vector_store_idx %arg20[%add3A_197], %get3A_199 : memref<1024xf32, #tpu.memory_space<vmem>>[vector<16xi32>], vector<16xf32>,
    %get3A_200 = arith.constant 32 : index
    %get3A_201 = tpu.vector_load %arg14[%get3A_200] {strides = array<i32>} : memref<384xi32, #tpu.memory_space<vmem>>, vector<16xi32>,
    %get3A_202 = arith.constant 32 : index
    %get3A_203 = tpu.vector_load %arg15[%get3A_202] {strides = array<i32>} : memref<384xi32, #tpu.memory_space<vmem>>, vector<16xi32>,
    %mul3A_204 = arith.constant 32 : i32
    %mul3A_205 = vector.broadcast %mul3A_204 : i32 to vector<16xi32>
    %mul3A_206 = arith.muli %get3A_201, %mul3A_205 : vector<16xi32>
    %add3A_207 = arith.addi %mul3A_206, %get3A_203 : vector<16xi32>
    %get3A_208 = arith.constant 32 : index
    %get3A_209 = tpu.vector_load %arg12[%get3A_208] {strides = array<i32>} : memref<384xf32, #tpu.memory_space<vmem>>, vector<16xf32>,
    tpu.vector_store_idx %arg20[%add3A_207], %get3A_209 : memref<1024xf32, #tpu.memory_space<vmem>>[vector<16xi32>], vector<16xf32>,
    %get3A_210 = arith.constant 48 : index
    %get3A_211 = tpu.vector_load %arg14[%get3A_210] {strides = array<i32>} : memref<384xi32, #tpu.memory_space<vmem>>, vector<16xi32>,
    %get3A_212 = arith.constant 48 : index
    %get3A_213 = tpu.vector_load %arg15[%get3A_212] {strides = array<i32>} : memref<384xi32, #tpu.memory_space<vmem>>, vector<16xi32>,
    %mul3A_214 = arith.constant 32 : i32
    %mul3A_215 = vector.broadcast %mul3A_214 : i32 to vector<16xi32>
    %mul3A_216 = arith.muli %get3A_211, %mul3A_215 : vector<16xi32>
    %add3A_217 = arith.addi %mul3A_216, %get3A_213 : vector<16xi32>
    %get3A_218 = arith.constant 48 : index
    %get3A_219 = tpu.vector_load %arg12[%get3A_218] {strides = array<i32>} : memref<384xf32, #tpu.memory_space<vmem>>, vector<16xf32>,
    tpu.vector_store_idx %arg20[%add3A_217], %get3A_219 : memref<1024xf32, #tpu.memory_space<vmem>>[vector<16xi32>], vector<16xf32>,
    %get3A_220 = arith.constant 64 : index
    %get3A_221 = tpu.vector_load %arg14[%get3A_220] {strides = array<i32>} : memref<384xi32, #tpu.memory_space<vmem>>, vector<16xi32>,
    %get3A_222 = arith.constant 64 : index
    %get3A_223 = tpu.vector_load %arg15[%get3A_222] {strides = array<i32>} : memref<384xi32, #tpu.memory_space<vmem>>, vector<16xi32>,
    %mul3A_224 = arith.constant 32 : i32
    %mul3A_225 = vector.broadcast %mul3A_224 : i32 to vector<16xi32>
    %mul3A_226 = arith.muli %get3A_221, %mul3A_225 : vector<16xi32>
    %add3A_227 = arith.addi %mul3A_226, %get3A_223 : vector<16xi32>
    %get3A_228 = arith.constant 64 : index
    %get3A_229 = tpu.vector_load %arg12[%get3A_228] {strides = array<i32>} : memref<384xf32, #tpu.memory_space<vmem>>, vector<16xf32>,
    tpu.vector_store_idx %arg20[%add3A_227], %get3A_229 : memref<1024xf32, #tpu.memory_space<vmem>>[vector<16xi32>], vector<16xf32>,
    %get3A_230 = arith.constant 80 : index
    %get3A_231 = tpu.vector_load %arg14[%get3A_230] {strides = array<i32>} : memref<384xi32, #tpu.memory_space<vmem>>, vector<16xi32>,
    %get3A_232 = arith.constant 80 : index
    %get3A_233 = tpu.vector_load %arg15[%get3A_232] {strides = array<i32>} : memref<384xi32, #tpu.memory_space<vmem>>, vector<16xi32>,
    %mul3A_234 = arith.constant 32 : i32
    %mul3A_235 = vector.broadcast %mul3A_234 : i32 to vector<16xi32>
    %mul3A_236 = arith.muli %get3A_231, %mul3A_235 : vector<16xi32>
    %add3A_237 = arith.addi %mul3A_236, %get3A_233 : vector<16xi32>
    %get3A_238 = arith.constant 80 : index
    %get3A_239 = tpu.vector_load %arg12[%get3A_238] {strides = array<i32>} : memref<384xf32, #tpu.memory_space<vmem>>, vector<16xf32>,
    tpu.vector_store_idx %arg20[%add3A_237], %get3A_239 : memref<1024xf32, #tpu.memory_space<vmem>>[vector<16xi32>], vector<16xf32>,
    %get3A_240 = arith.constant 96 : index
    %get3A_241 = tpu.vector_load %arg14[%get3A_240] {strides = array<i32>} : memref<384xi32, #tpu.memory_space<vmem>>, vector<16xi32>,
    %get3A_242 = arith.constant 96 : index
    %get3A_243 = tpu.vector_load %arg15[%get3A_242] {strides = array<i32>} : memref<384xi32, #tpu.memory_space<vmem>>, vector<16xi32>,
    %mul3A_244 = arith.constant 32 : i32
    %mul3A_245 = vector.broadcast %mul3A_244 : i32 to vector<16xi32>
    %mul3A_246 = arith.muli %get3A_241, %mul3A_245 : vector<16xi32>
    %add3A_247 = arith.addi %mul3A_246, %get3A_243 : vector<16xi32>
    %get3A_248 = arith.constant 96 : index
    %get3A_249 = tpu.vector_load %arg12[%get3A_248] {strides = array<i32>} : memref<384xf32, #tpu.memory_space<vmem>>, vector<16xf32>,
    tpu.vector_store_idx %arg20[%add3A_247], %get3A_249 : memref<1024xf32, #tpu.memory_space<vmem>>[vector<16xi32>], vector<16xf32>,
    %get3A_250 = arith.constant 112 : index
    %get3A_251 = tpu.vector_load %arg14[%get3A_250] {strides = array<i32>} : memref<384xi32, #tpu.memory_space<vmem>>, vector<16xi32>,
    %get3A_252 = arith.constant 112 : index
    %get3A_253 = tpu.vector_load %arg15[%get3A_252] {strides = array<i32>} : memref<384xi32, #tpu.memory_space<vmem>>, vector<16xi32>,
    %mul3A_254 = arith.constant 32 : i32
    %mul3A_255 = vector.broadcast %mul3A_254 : i32 to vector<16xi32>
    %mul3A_256 = arith.muli %get3A_251, %mul3A_255 : vector<16xi32>
    %add3A_257 = arith.addi %mul3A_256, %get3A_253 : vector<16xi32>
    %get3A_258 = arith.constant 112 : index
    %get3A_259 = tpu.vector_load %arg12[%get3A_258] {strides = array<i32>} : memref<384xf32, #tpu.memory_space<vmem>>, vector<16xf32>,
    tpu.vector_store_idx %arg20[%add3A_257], %get3A_259 : memref<1024xf32, #tpu.memory_space<vmem>>[vector<16xi32>], vector<16xf32>,
    %get3A_260 = arith.constant 128 : index
    %get3A_261 = tpu.vector_load %arg14[%get3A_260] {strides = array<i32>} : memref<384xi32, #tpu.memory_space<vmem>>, vector<16xi32>,
    %get3A_262 = arith.constant 128 : index
    %get3A_263 = tpu.vector_load %arg15[%get3A_262] {strides = array<i32>} : memref<384xi32, #tpu.memory_space<vmem>>, vector<16xi32>,
    %mul3A_264 = arith.constant 32 : i32
    %mul3A_265 = vector.broadcast %mul3A_264 : i32 to vector<16xi32>
    %mul3A_266 = arith.muli %get3A_261, %mul3A_265 : vector<16xi32>
    %add3A_267 = arith.addi %mul3A_266, %get3A_263 : vector<16xi32>
    %get3A_268 = arith.constant 128 : index
    %get3A_269 = tpu.vector_load %arg12[%get3A_268] {strides = array<i32>} : memref<384xf32, #tpu.memory_space<vmem>>, vector<16xf32>,
    tpu.vector_store_idx %arg20[%add3A_267], %get3A_269 : memref<1024xf32, #tpu.memory_space<vmem>>[vector<16xi32>], vector<16xf32>,
    %get3A_270 = arith.constant 144 : index
    %get3A_271 = tpu.vector_load %arg14[%get3A_270] {strides = array<i32>} : memref<384xi32, #tpu.memory_space<vmem>>, vector<16xi32>,
    %get3A_272 = arith.constant 144 : index
    %get3A_273 = tpu.vector_load %arg15[%get3A_272] {strides = array<i32>} : memref<384xi32, #tpu.memory_space<vmem>>, vector<16xi32>,
    %mul3A_274 = arith.constant 32 : i32
    %mul3A_275 = vector.broadcast %mul3A_274 : i32 to vector<16xi32>
    %mul3A_276 = arith.muli %get3A_271, %mul3A_275 : vector<16xi32>
    %add3A_277 = arith.addi %mul3A_276, %get3A_273 : vector<16xi32>
    %get3A_278 = arith.constant 144 : index
    %get3A_279 = tpu.vector_load %arg12[%get3A_278] {strides = array<i32>} : memref<384xf32, #tpu.memory_space<vmem>>, vector<16xf32>,
    tpu.vector_store_idx %arg20[%add3A_277], %get3A_279 : memref<1024xf32, #tpu.memory_space<vmem>>[vector<16xi32>], vector<16xf32>,
    %get3A_280 = arith.constant 160 : index
    %get3A_281 = tpu.vector_load %arg14[%get3A_280] {strides = array<i32>} : memref<384xi32, #tpu.memory_space<vmem>>, vector<16xi32>,
    %get3A_282 = arith.constant 160 : index
    %get3A_283 = tpu.vector_load %arg15[%get3A_282] {strides = array<i32>} : memref<384xi32, #tpu.memory_space<vmem>>, vector<16xi32>,
    %mul3A_284 = arith.constant 32 : i32
    %mul3A_285 = vector.broadcast %mul3A_284 : i32 to vector<16xi32>
    %mul3A_286 = arith.muli %get3A_281, %mul3A_285 : vector<16xi32>
    %add3A_287 = arith.addi %mul3A_286, %get3A_283 : vector<16xi32>
    %get3A_288 = arith.constant 160 : index
    %get3A_289 = tpu.vector_load %arg12[%get3A_288] {strides = array<i32>} : memref<384xf32, #tpu.memory_space<vmem>>, vector<16xf32>,
    tpu.vector_store_idx %arg20[%add3A_287], %get3A_289 : memref<1024xf32, #tpu.memory_space<vmem>>[vector<16xi32>], vector<16xf32>,
    %get3A_290 = arith.constant 176 : index
    %get3A_291 = tpu.vector_load %arg14[%get3A_290] {strides = array<i32>} : memref<384xi32, #tpu.memory_space<vmem>>, vector<16xi32>,
    %get3A_292 = arith.constant 176 : index
    %get3A_293 = tpu.vector_load %arg15[%get3A_292] {strides = array<i32>} : memref<384xi32, #tpu.memory_space<vmem>>, vector<16xi32>,
    %mul3A_294 = arith.constant 32 : i32
    %mul3A_295 = vector.broadcast %mul3A_294 : i32 to vector<16xi32>
    %mul3A_296 = arith.muli %get3A_291, %mul3A_295 : vector<16xi32>
    %add3A_297 = arith.addi %mul3A_296, %get3A_293 : vector<16xi32>
    %get3A_298 = arith.constant 176 : index
    %get3A_299 = tpu.vector_load %arg12[%get3A_298] {strides = array<i32>} : memref<384xf32, #tpu.memory_space<vmem>>, vector<16xf32>,
    tpu.vector_store_idx %arg20[%add3A_297], %get3A_299 : memref<1024xf32, #tpu.memory_space<vmem>>[vector<16xi32>], vector<16xf32>,
    %get3A_300 = arith.constant 192 : index
    %get3A_301 = tpu.vector_load %arg14[%get3A_300] {strides = array<i32>} : memref<384xi32, #tpu.memory_space<vmem>>, vector<16xi32>,
    %get3A_302 = arith.constant 192 : index
    %get3A_303 = tpu.vector_load %arg15[%get3A_302] {strides = array<i32>} : memref<384xi32, #tpu.memory_space<vmem>>, vector<16xi32>,
    %mul3A_304 = arith.constant 32 : i32
    %mul3A_305 = vector.broadcast %mul3A_304 : i32 to vector<16xi32>
    %mul3A_306 = arith.muli %get3A_301, %mul3A_305 : vector<16xi32>
    %add3A_307 = arith.addi %mul3A_306, %get3A_303 : vector<16xi32>
    %get3A_308 = arith.constant 192 : index
    %get3A_309 = tpu.vector_load %arg12[%get3A_308] {strides = array<i32>} : memref<384xf32, #tpu.memory_space<vmem>>, vector<16xf32>,
    tpu.vector_store_idx %arg20[%add3A_307], %get3A_309 : memref<1024xf32, #tpu.memory_space<vmem>>[vector<16xi32>], vector<16xf32>,
    %get3A_310 = arith.constant 208 : index
    %get3A_311 = tpu.vector_load %arg14[%get3A_310] {strides = array<i32>} : memref<384xi32, #tpu.memory_space<vmem>>, vector<16xi32>,
    %get3A_312 = arith.constant 208 : index
    %get3A_313 = tpu.vector_load %arg15[%get3A_312] {strides = array<i32>} : memref<384xi32, #tpu.memory_space<vmem>>, vector<16xi32>,
    %mul3A_314 = arith.constant 32 : i32
    %mul3A_315 = vector.broadcast %mul3A_314 : i32 to vector<16xi32>
    %mul3A_316 = arith.muli %get3A_311, %mul3A_315 : vector<16xi32>
    %add3A_317 = arith.addi %mul3A_316, %get3A_313 : vector<16xi32>
    %get3A_318 = arith.constant 208 : index
    %get3A_319 = tpu.vector_load %arg12[%get3A_318] {strides = array<i32>} : memref<384xf32, #tpu.memory_space<vmem>>, vector<16xf32>,
    tpu.vector_store_idx %arg20[%add3A_317], %get3A_319 : memref<1024xf32, #tpu.memory_space<vmem>>[vector<16xi32>], vector<16xf32>,
    %get3A_320 = arith.constant 224 : index
    %get3A_321 = tpu.vector_load %arg14[%get3A_320] {strides = array<i32>} : memref<384xi32, #tpu.memory_space<vmem>>, vector<16xi32>,
    %get3A_322 = arith.constant 224 : index
    %get3A_323 = tpu.vector_load %arg15[%get3A_322] {strides = array<i32>} : memref<384xi32, #tpu.memory_space<vmem>>, vector<16xi32>,
    %mul3A_324 = arith.constant 32 : i32
    %mul3A_325 = vector.broadcast %mul3A_324 : i32 to vector<16xi32>
    %mul3A_326 = arith.muli %get3A_321, %mul3A_325 : vector<16xi32>
    %add3A_327 = arith.addi %mul3A_326, %get3A_323 : vector<16xi32>
    %get3A_328 = arith.constant 224 : index
    %get3A_329 = tpu.vector_load %arg12[%get3A_328] {strides = array<i32>} : memref<384xf32, #tpu.memory_space<vmem>>, vector<16xf32>,
    tpu.vector_store_idx %arg20[%add3A_327], %get3A_329 : memref<1024xf32, #tpu.memory_space<vmem>>[vector<16xi32>], vector<16xf32>,
    %get3A_330 = arith.constant 240 : index
    %get3A_331 = tpu.vector_load %arg14[%get3A_330] {strides = array<i32>} : memref<384xi32, #tpu.memory_space<vmem>>, vector<16xi32>,
    %get3A_332 = arith.constant 240 : index
    %get3A_333 = tpu.vector_load %arg15[%get3A_332] {strides = array<i32>} : memref<384xi32, #tpu.memory_space<vmem>>, vector<16xi32>,
    %mul3A_334 = arith.constant 32 : i32
    %mul3A_335 = vector.broadcast %mul3A_334 : i32 to vector<16xi32>
    %mul3A_336 = arith.muli %get3A_331, %mul3A_335 : vector<16xi32>
    %add3A_337 = arith.addi %mul3A_336, %get3A_333 : vector<16xi32>
    %get3A_338 = arith.constant 240 : index
    %get3A_339 = tpu.vector_load %arg12[%get3A_338] {strides = array<i32>} : memref<384xf32, #tpu.memory_space<vmem>>, vector<16xf32>,
    tpu.vector_store_idx %arg20[%add3A_337], %get3A_339 : memref<1024xf32, #tpu.memory_space<vmem>>[vector<16xi32>], vector<16xf32>,
    %get3A_340 = arith.constant 256 : index
    %get3A_341 = tpu.vector_load %arg14[%get3A_340] {strides = array<i32>} : memref<384xi32, #tpu.memory_space<vmem>>, vector<16xi32>,
    %get3A_342 = arith.constant 256 : index
    %get3A_343 = tpu.vector_load %arg15[%get3A_342] {strides = array<i32>} : memref<384xi32, #tpu.memory_space<vmem>>, vector<16xi32>,
    %mul3A_344 = arith.constant 32 : i32
    %mul3A_345 = vector.broadcast %mul3A_344 : i32 to vector<16xi32>
    %mul3A_346 = arith.muli %get3A_341, %mul3A_345 : vector<16xi32>
    %add3A_347 = arith.addi %mul3A_346, %get3A_343 : vector<16xi32>
    %get3A_348 = arith.constant 256 : index
    %get3A_349 = tpu.vector_load %arg12[%get3A_348] {strides = array<i32>} : memref<384xf32, #tpu.memory_space<vmem>>, vector<16xf32>,
    tpu.vector_store_idx %arg20[%add3A_347], %get3A_349 : memref<1024xf32, #tpu.memory_space<vmem>>[vector<16xi32>], vector<16xf32>,
    %get3A_350 = arith.constant 272 : index
    %get3A_351 = tpu.vector_load %arg14[%get3A_350] {strides = array<i32>} : memref<384xi32, #tpu.memory_space<vmem>>, vector<16xi32>,
    %get3A_352 = arith.constant 272 : index
    %get3A_353 = tpu.vector_load %arg15[%get3A_352] {strides = array<i32>} : memref<384xi32, #tpu.memory_space<vmem>>, vector<16xi32>,
    %mul3A_354 = arith.constant 32 : i32
    %mul3A_355 = vector.broadcast %mul3A_354 : i32 to vector<16xi32>
    %mul3A_356 = arith.muli %get3A_351, %mul3A_355 : vector<16xi32>
    %add3A_357 = arith.addi %mul3A_356, %get3A_353 : vector<16xi32>
    %get3A_358 = arith.constant 272 : index
    %get3A_359 = tpu.vector_load %arg12[%get3A_358] {strides = array<i32>} : memref<384xf32, #tpu.memory_space<vmem>>, vector<16xf32>,
    tpu.vector_store_idx %arg20[%add3A_357], %get3A_359 : memref<1024xf32, #tpu.memory_space<vmem>>[vector<16xi32>], vector<16xf32>,
    %get3A_360 = arith.constant 288 : index
    %get3A_361 = tpu.vector_load %arg14[%get3A_360] {strides = array<i32>} : memref<384xi32, #tpu.memory_space<vmem>>, vector<16xi32>,
    %get3A_362 = arith.constant 288 : index
    %get3A_363 = tpu.vector_load %arg15[%get3A_362] {strides = array<i32>} : memref<384xi32, #tpu.memory_space<vmem>>, vector<16xi32>,
    %mul3A_364 = arith.constant 32 : i32
    %mul3A_365 = vector.broadcast %mul3A_364 : i32 to vector<16xi32>
    %mul3A_366 = arith.muli %get3A_361, %mul3A_365 : vector<16xi32>
    %add3A_367 = arith.addi %mul3A_366, %get3A_363 : vector<16xi32>
    %get3A_368 = arith.constant 288 : index
    %get3A_369 = tpu.vector_load %arg12[%get3A_368] {strides = array<i32>} : memref<384xf32, #tpu.memory_space<vmem>>, vector<16xf32>,
    tpu.vector_store_idx %arg20[%add3A_367], %get3A_369 : memref<1024xf32, #tpu.memory_space<vmem>>[vector<16xi32>], vector<16xf32>,
    %get3A_370 = arith.constant 304 : index
    %get3A_371 = tpu.vector_load %arg14[%get3A_370] {strides = array<i32>} : memref<384xi32, #tpu.memory_space<vmem>>, vector<16xi32>,
    %get3A_372 = arith.constant 304 : index
    %get3A_373 = tpu.vector_load %arg15[%get3A_372] {strides = array<i32>} : memref<384xi32, #tpu.memory_space<vmem>>, vector<16xi32>,
    %mul3A_374 = arith.constant 32 : i32
    %mul3A_375 = vector.broadcast %mul3A_374 : i32 to vector<16xi32>
    %mul3A_376 = arith.muli %get3A_371, %mul3A_375 : vector<16xi32>
    %add3A_377 = arith.addi %mul3A_376, %get3A_373 : vector<16xi32>
    %get3A_378 = arith.constant 304 : index
    %get3A_379 = tpu.vector_load %arg12[%get3A_378] {strides = array<i32>} : memref<384xf32, #tpu.memory_space<vmem>>, vector<16xf32>,
    tpu.vector_store_idx %arg20[%add3A_377], %get3A_379 : memref<1024xf32, #tpu.memory_space<vmem>>[vector<16xi32>], vector<16xf32>,
    %get3A_380 = arith.constant 320 : index
    %get3A_381 = tpu.vector_load %arg14[%get3A_380] {strides = array<i32>} : memref<384xi32, #tpu.memory_space<vmem>>, vector<16xi32>,
    %get3A_382 = arith.constant 320 : index
    %get3A_383 = tpu.vector_load %arg15[%get3A_382] {strides = array<i32>} : memref<384xi32, #tpu.memory_space<vmem>>, vector<16xi32>,
    %mul3A_384 = arith.constant 32 : i32
    %mul3A_385 = vector.broadcast %mul3A_384 : i32 to vector<16xi32>
    %mul3A_386 = arith.muli %get3A_381, %mul3A_385 : vector<16xi32>
    %add3A_387 = arith.addi %mul3A_386, %get3A_383 : vector<16xi32>
    %get3A_388 = arith.constant 320 : index
    %get3A_389 = tpu.vector_load %arg12[%get3A_388] {strides = array<i32>} : memref<384xf32, #tpu.memory_space<vmem>>, vector<16xf32>,
    tpu.vector_store_idx %arg20[%add3A_387], %get3A_389 : memref<1024xf32, #tpu.memory_space<vmem>>[vector<16xi32>], vector<16xf32>,
    %get3A_390 = arith.constant 336 : index
    %get3A_391 = tpu.vector_load %arg14[%get3A_390] {strides = array<i32>} : memref<384xi32, #tpu.memory_space<vmem>>, vector<16xi32>,
    %get3A_392 = arith.constant 336 : index
    %get3A_393 = tpu.vector_load %arg15[%get3A_392] {strides = array<i32>} : memref<384xi32, #tpu.memory_space<vmem>>, vector<16xi32>,
    %mul3A_394 = arith.constant 32 : i32
    %mul3A_395 = vector.broadcast %mul3A_394 : i32 to vector<16xi32>
    %mul3A_396 = arith.muli %get3A_391, %mul3A_395 : vector<16xi32>
    %add3A_397 = arith.addi %mul3A_396, %get3A_393 : vector<16xi32>
    %get3A_398 = arith.constant 336 : index
    %get3A_399 = tpu.vector_load %arg12[%get3A_398] {strides = array<i32>} : memref<384xf32, #tpu.memory_space<vmem>>, vector<16xf32>,
    tpu.vector_store_idx %arg20[%add3A_397], %get3A_399 : memref<1024xf32, #tpu.memory_space<vmem>>[vector<16xi32>], vector<16xf32>,
    %get3A_400 = arith.constant 352 : index
    %get3A_401 = tpu.vector_load %arg14[%get3A_400] {strides = array<i32>} : memref<384xi32, #tpu.memory_space<vmem>>, vector<16xi32>,
    %get3A_402 = arith.constant 352 : index
    %get3A_403 = tpu.vector_load %arg15[%get3A_402] {strides = array<i32>} : memref<384xi32, #tpu.memory_space<vmem>>, vector<16xi32>,
    %mul3A_404 = arith.constant 32 : i32
    %mul3A_405 = vector.broadcast %mul3A_404 : i32 to vector<16xi32>
    %mul3A_406 = arith.muli %get3A_401, %mul3A_405 : vector<16xi32>
    %add3A_407 = arith.addi %mul3A_406, %get3A_403 : vector<16xi32>
    %get3A_408 = arith.constant 352 : index
    %get3A_409 = tpu.vector_load %arg12[%get3A_408] {strides = array<i32>} : memref<384xf32, #tpu.memory_space<vmem>>, vector<16xf32>,
    tpu.vector_store_idx %arg20[%add3A_407], %get3A_409 : memref<1024xf32, #tpu.memory_space<vmem>>[vector<16xi32>], vector<16xf32>,
    %get3A_410 = arith.constant 368 : index
    %get3A_411 = tpu.vector_load %arg14[%get3A_410] {strides = array<i32>} : memref<384xi32, #tpu.memory_space<vmem>>, vector<16xi32>,
    %get3A_412 = arith.constant 368 : index
    %get3A_413 = tpu.vector_load %arg15[%get3A_412] {strides = array<i32>} : memref<384xi32, #tpu.memory_space<vmem>>, vector<16xi32>,
    %mul3A_414 = arith.constant 32 : i32
    %mul3A_415 = vector.broadcast %mul3A_414 : i32 to vector<16xi32>
    %mul3A_416 = arith.muli %get3A_411, %mul3A_415 : vector<16xi32>
    %add3A_417 = arith.addi %mul3A_416, %get3A_413 : vector<16xi32>
    %get3A_418 = arith.constant 368 : index
    %get3A_419 = tpu.vector_load %arg12[%get3A_418] {strides = array<i32>} : memref<384xf32, #tpu.memory_space<vmem>>, vector<16xf32>,
    %lt3A_420 = arith.constant 12 : i32
    %lt3A_421 = vector.broadcast %lt3A_420 : i32 to vector<16xi32>
    %lt3A_422 = arith.cmpi slt, %iota3A, %lt3A_421 : vector<16xi32>
    tpu.vector_store_idx %arg20[%add3A_417], %get3A_419 masked %lt3A_422 : memref<1024xf32, #tpu.memory_space<vmem>>[vector<16xi32>], vector<16xf32>, vector<16xi1>
    %get3A_423 = arith.constant 0 : index
    %get3A_424 = tpu.vector_load %arg22[%get3A_423] {strides = array<i32>} : memref<32xf32, #tpu.memory_space<vmem>>, vector<16xf32>,
    %get3A_425 = arith.constant 16 : index
    %get3A_426 = tpu.vector_load %arg22[%get3A_425] {strides = array<i32>} : memref<32xf32, #tpu.memory_space<vmem>>, vector<16xf32>,
    %get3A_427 = arith.constant 0 : index
    %get3A_428 = tpu.vector_load %arg23[%get3A_427] {strides = array<i32>} : memref<32xf32, #tpu.memory_space<vmem>>, vector<16xf32>,
    %get3A_429 = arith.constant 16 : index
    %get3A_430 = tpu.vector_load %arg23[%get3A_429] {strides = array<i32>} : memref<32xf32, #tpu.memory_space<vmem>>, vector<16xf32>,
    %get3A_431 = arith.constant 0 : index
    %get3A_432 = tpu.vector_load %arg19[%get3A_431] {strides = array<i32>} : memref<320xi32, #tpu.memory_space<vmem>>, vector<16xi32>,
    %gather3A = tpu.vector_load_idx %arg21[%get3A_432] : memref<32xf32, #tpu.memory_space<vmem>>[vector<16xi32>], vector<16xf32>,
    %get3A_433 = arith.constant 0 : index
    %get3A_434 = tpu.vector_load %arg20[%get3A_433] {strides = array<i32>} : memref<1024xf32, #tpu.memory_space<vmem>>, vector<16xf32>,
    %mul3A_435 = arith.mulf %gather3A, %get3A_434 : vector<16xf32>
    %add3A_436 = arith.addf %get3A_424, %mul3A_435 : vector<16xf32>
    %get3A_437 = arith.constant 16 : index
    %get3A_438 = tpu.vector_load %arg20[%get3A_437] {strides = array<i32>} : memref<1024xf32, #tpu.memory_space<vmem>>, vector<16xf32>,
    %mul3A_439 = arith.mulf %gather3A, %get3A_438 : vector<16xf32>
    %add3A_440 = arith.addf %get3A_426, %mul3A_439 : vector<16xf32>
    %get3A_441 = arith.constant 16 : index
    %get3A_442 = tpu.vector_load %arg19[%get3A_441] {strides = array<i32>} : memref<320xi32, #tpu.memory_space<vmem>>, vector<16xi32>,
    %gather3A_443 = tpu.vector_load_idx %arg21[%get3A_442] : memref<32xf32, #tpu.memory_space<vmem>>[vector<16xi32>], vector<16xf32>,
    %get3A_444 = arith.constant 32 : index
    %get3A_445 = tpu.vector_load %arg20[%get3A_444] {strides = array<i32>} : memref<1024xf32, #tpu.memory_space<vmem>>, vector<16xf32>,
    %mul3A_446 = arith.mulf %gather3A_443, %get3A_445 : vector<16xf32>
    %add3A_447 = arith.addf %add3A_436, %mul3A_446 : vector<16xf32>
    %get3A_448 = arith.constant 48 : index
    %get3A_449 = tpu.vector_load %arg20[%get3A_448] {strides = array<i32>} : memref<1024xf32, #tpu.memory_space<vmem>>, vector<16xf32>,
    %mul3A_450 = arith.mulf %gather3A_443, %get3A_449 : vector<16xf32>
    %add3A_451 = arith.addf %add3A_440, %mul3A_450 : vector<16xf32>
    %get3A_452 = arith.constant 32 : index
    %get3A_453 = tpu.vector_load %arg19[%get3A_452] {strides = array<i32>} : memref<320xi32, #tpu.memory_space<vmem>>, vector<16xi32>,
    %gather3A_454 = tpu.vector_load_idx %arg21[%get3A_453] : memref<32xf32, #tpu.memory_space<vmem>>[vector<16xi32>], vector<16xf32>,
    %get3A_455 = arith.constant 64 : index
    %get3A_456 = tpu.vector_load %arg20[%get3A_455] {strides = array<i32>} : memref<1024xf32, #tpu.memory_space<vmem>>, vector<16xf32>,
    %mul3A_457 = arith.mulf %gather3A_454, %get3A_456 : vector<16xf32>
    %add3A_458 = arith.addf %add3A_447, %mul3A_457 : vector<16xf32>
    %get3A_459 = arith.constant 80 : index
    %get3A_460 = tpu.vector_load %arg20[%get3A_459] {strides = array<i32>} : memref<1024xf32, #tpu.memory_space<vmem>>, vector<16xf32>,
    %mul3A_461 = arith.mulf %gather3A_454, %get3A_460 : vector<16xf32>
    %add3A_462 = arith.addf %add3A_451, %mul3A_461 : vector<16xf32>
    %get3A_463 = arith.constant 48 : index
    %get3A_464 = tpu.vector_load %arg19[%get3A_463] {strides = array<i32>} : memref<320xi32, #tpu.memory_space<vmem>>, vector<16xi32>,
    %gather3A_465 = tpu.vector_load_idx %arg21[%get3A_464] : memref<32xf32, #tpu.memory_space<vmem>>[vector<16xi32>], vector<16xf32>,
    %get3A_466 = arith.constant 96 : index
    %get3A_467 = tpu.vector_load %arg20[%get3A_466] {strides = array<i32>} : memref<1024xf32, #tpu.memory_space<vmem>>, vector<16xf32>,
    %mul3A_468 = arith.mulf %gather3A_465, %get3A_467 : vector<16xf32>
    %add3A_469 = arith.addf %add3A_458, %mul3A_468 : vector<16xf32>
    %get3A_470 = arith.constant 112 : index
    %get3A_471 = tpu.vector_load %arg20[%get3A_470] {strides = array<i32>} : memref<1024xf32, #tpu.memory_space<vmem>>, vector<16xf32>,
    %mul3A_472 = arith.mulf %gather3A_465, %get3A_471 : vector<16xf32>
    %add3A_473 = arith.addf %add3A_462, %mul3A_472 : vector<16xf32>
    %get3A_474 = arith.constant 64 : index
    %get3A_475 = tpu.vector_load %arg19[%get3A_474] {strides = array<i32>} : memref<320xi32, #tpu.memory_space<vmem>>, vector<16xi32>,
    %gather3A_476 = tpu.vector_load_idx %arg21[%get3A_475] : memref<32xf32, #tpu.memory_space<vmem>>[vector<16xi32>], vector<16xf32>,
    %get3A_477 = arith.constant 128 : index
    %get3A_478 = tpu.vector_load %arg20[%get3A_477] {strides = array<i32>} : memref<1024xf32, #tpu.memory_space<vmem>>, vector<16xf32>,
    %mul3A_479 = arith.mulf %gather3A_476, %get3A_478 : vector<16xf32>
    %add3A_480 = arith.addf %add3A_469, %mul3A_479 : vector<16xf32>
    %get3A_481 = arith.constant 144 : index
    %get3A_482 = tpu.vector_load %arg20[%get3A_481] {strides = array<i32>} : memref<1024xf32, #tpu.memory_space<vmem>>, vector<16xf32>,
    %mul3A_483 = arith.mulf %gather3A_476, %get3A_482 : vector<16xf32>
    %add3A_484 = arith.addf %add3A_473, %mul3A_483 : vector<16xf32>
    %get3A_485 = arith.constant 80 : index
    %get3A_486 = tpu.vector_load %arg19[%get3A_485] {strides = array<i32>} : memref<320xi32, #tpu.memory_space<vmem>>, vector<16xi32>,
    %gather3A_487 = tpu.vector_load_idx %arg21[%get3A_486] : memref<32xf32, #tpu.memory_space<vmem>>[vector<16xi32>], vector<16xf32>,
    %get3A_488 = arith.constant 160 : index
    %get3A_489 = tpu.vector_load %arg20[%get3A_488] {strides = array<i32>} : memref<1024xf32, #tpu.memory_space<vmem>>, vector<16xf32>,
    %mul3A_490 = arith.mulf %gather3A_487, %get3A_489 : vector<16xf32>
    %add3A_491 = arith.addf %add3A_480, %mul3A_490 : vector<16xf32>
    %get3A_492 = arith.constant 176 : index
    %get3A_493 = tpu.vector_load %arg20[%get3A_492] {strides = array<i32>} : memref<1024xf32, #tpu.memory_space<vmem>>, vector<16xf32>,
    %mul3A_494 = arith.mulf %gather3A_487, %get3A_493 : vector<16xf32>
    %add3A_495 = arith.addf %add3A_484, %mul3A_494 : vector<16xf32>
    %get3A_496 = arith.constant 96 : index
    %get3A_497 = tpu.vector_load %arg19[%get3A_496] {strides = array<i32>} : memref<320xi32, #tpu.memory_space<vmem>>, vector<16xi32>,
    %gather3A_498 = tpu.vector_load_idx %arg21[%get3A_497] : memref<32xf32, #tpu.memory_space<vmem>>[vector<16xi32>], vector<16xf32>,
    %get3A_499 = arith.constant 192 : index
    %get3A_500 = tpu.vector_load %arg20[%get3A_499] {strides = array<i32>} : memref<1024xf32, #tpu.memory_space<vmem>>, vector<16xf32>,
    %mul3A_501 = arith.mulf %gather3A_498, %get3A_500 : vector<16xf32>
    %add3A_502 = arith.addf %add3A_491, %mul3A_501 : vector<16xf32>
    %get3A_503 = arith.constant 208 : index
    %get3A_504 = tpu.vector_load %arg20[%get3A_503] {strides = array<i32>} : memref<1024xf32, #tpu.memory_space<vmem>>, vector<16xf32>,
    %mul3A_505 = arith.mulf %gather3A_498, %get3A_504 : vector<16xf32>
    %add3A_506 = arith.addf %add3A_495, %mul3A_505 : vector<16xf32>
    %get3A_507 = arith.constant 112 : index
    %get3A_508 = tpu.vector_load %arg19[%get3A_507] {strides = array<i32>} : memref<320xi32, #tpu.memory_space<vmem>>, vector<16xi32>,
    %gather3A_509 = tpu.vector_load_idx %arg21[%get3A_508] : memref<32xf32, #tpu.memory_space<vmem>>[vector<16xi32>], vector<16xf32>,
    %get3A_510 = arith.constant 224 : index
    %get3A_511 = tpu.vector_load %arg20[%get3A_510] {strides = array<i32>} : memref<1024xf32, #tpu.memory_space<vmem>>, vector<16xf32>,
    %mul3A_512 = arith.mulf %gather3A_509, %get3A_511 : vector<16xf32>
    %add3A_513 = arith.addf %add3A_502, %mul3A_512 : vector<16xf32>
    %get3A_514 = arith.constant 240 : index
    %get3A_515 = tpu.vector_load %arg20[%get3A_514] {strides = array<i32>} : memref<1024xf32, #tpu.memory_space<vmem>>, vector<16xf32>,
    %mul3A_516 = arith.mulf %gather3A_509, %get3A_515 : vector<16xf32>
    %add3A_517 = arith.addf %add3A_506, %mul3A_516 : vector<16xf32>
    %get3A_518 = arith.constant 128 : index
    %get3A_519 = tpu.vector_load %arg19[%get3A_518] {strides = array<i32>} : memref<320xi32, #tpu.memory_space<vmem>>, vector<16xi32>,
    %gather3A_520 = tpu.vector_load_idx %arg21[%get3A_519] : memref<32xf32, #tpu.memory_space<vmem>>[vector<16xi32>], vector<16xf32>,
    %get3A_521 = arith.constant 256 : index
    %get3A_522 = tpu.vector_load %arg20[%get3A_521] {strides = array<i32>} : memref<1024xf32, #tpu.memory_space<vmem>>, vector<16xf32>,
    %mul3A_523 = arith.mulf %gather3A_520, %get3A_522 : vector<16xf32>
    %add3A_524 = arith.addf %add3A_513, %mul3A_523 : vector<16xf32>
    %get3A_525 = arith.constant 272 : index
    %get3A_526 = tpu.vector_load %arg20[%get3A_525] {strides = array<i32>} : memref<1024xf32, #tpu.memory_space<vmem>>, vector<16xf32>,
    %mul3A_527 = arith.mulf %gather3A_520, %get3A_526 : vector<16xf32>
    %add3A_528 = arith.addf %add3A_517, %mul3A_527 : vector<16xf32>
    %get3A_529 = arith.constant 144 : index
    %get3A_530 = tpu.vector_load %arg19[%get3A_529] {strides = array<i32>} : memref<320xi32, #tpu.memory_space<vmem>>, vector<16xi32>,
    %gather3A_531 = tpu.vector_load_idx %arg21[%get3A_530] : memref<32xf32, #tpu.memory_space<vmem>>[vector<16xi32>], vector<16xf32>,
    %get3A_532 = arith.constant 288 : index
    %get3A_533 = tpu.vector_load %arg20[%get3A_532] {strides = array<i32>} : memref<1024xf32, #tpu.memory_space<vmem>>, vector<16xf32>,
    %mul3A_534 = arith.mulf %gather3A_531, %get3A_533 : vector<16xf32>
    %add3A_535 = arith.addf %add3A_524, %mul3A_534 : vector<16xf32>
    %get3A_536 = arith.constant 304 : index
    %get3A_537 = tpu.vector_load %arg20[%get3A_536] {strides = array<i32>} : memref<1024xf32, #tpu.memory_space<vmem>>, vector<16xf32>,
    %mul3A_538 = arith.mulf %gather3A_531, %get3A_537 : vector<16xf32>
    %add3A_539 = arith.addf %add3A_528, %mul3A_538 : vector<16xf32>
    %get3A_540 = arith.constant 160 : index
    %get3A_541 = tpu.vector_load %arg19[%get3A_540] {strides = array<i32>} : memref<320xi32, #tpu.memory_space<vmem>>, vector<16xi32>,
    %gather3A_542 = tpu.vector_load_idx %arg21[%get3A_541] : memref<32xf32, #tpu.memory_space<vmem>>[vector<16xi32>], vector<16xf32>,
    %get3A_543 = arith.constant 320 : index
    %get3A_544 = tpu.vector_load %arg20[%get3A_543] {strides = array<i32>} : memref<1024xf32, #tpu.memory_space<vmem>>, vector<16xf32>,
    %mul3A_545 = arith.mulf %gather3A_542, %get3A_544 : vector<16xf32>
    %add3A_546 = arith.addf %add3A_535, %mul3A_545 : vector<16xf32>
    %get3A_547 = arith.constant 336 : index
    %get3A_548 = tpu.vector_load %arg20[%get3A_547] {strides = array<i32>} : memref<1024xf32, #tpu.memory_space<vmem>>, vector<16xf32>,
    %mul3A_549 = arith.mulf %gather3A_542, %get3A_548 : vector<16xf32>
    %add3A_550 = arith.addf %add3A_539, %mul3A_549 : vector<16xf32>
    %get3A_551 = arith.constant 176 : index
    %get3A_552 = tpu.vector_load %arg19[%get3A_551] {strides = array<i32>} : memref<320xi32, #tpu.memory_space<vmem>>, vector<16xi32>,
    %gather3A_553 = tpu.vector_load_idx %arg21[%get3A_552] : memref<32xf32, #tpu.memory_space<vmem>>[vector<16xi32>], vector<16xf32>,
    %get3A_554 = arith.constant 352 : index
    %get3A_555 = tpu.vector_load %arg20[%get3A_554] {strides = array<i32>} : memref<1024xf32, #tpu.memory_space<vmem>>, vector<16xf32>,
    %mul3A_556 = arith.mulf %gather3A_553, %get3A_555 : vector<16xf32>
    %add3A_557 = arith.addf %add3A_546, %mul3A_556 : vector<16xf32>
    %get3A_558 = arith.constant 368 : index
    %get3A_559 = tpu.vector_load %arg20[%get3A_558] {strides = array<i32>} : memref<1024xf32, #tpu.memory_space<vmem>>, vector<16xf32>,
    %mul3A_560 = arith.mulf %gather3A_553, %get3A_559 : vector<16xf32>
    %add3A_561 = arith.addf %add3A_550, %mul3A_560 : vector<16xf32>
    %get3A_562 = arith.constant 192 : index
    %get3A_563 = tpu.vector_load %arg19[%get3A_562] {strides = array<i32>} : memref<320xi32, #tpu.memory_space<vmem>>, vector<16xi32>,
    %gather3A_564 = tpu.vector_load_idx %arg21[%get3A_563] : memref<32xf32, #tpu.memory_space<vmem>>[vector<16xi32>], vector<16xf32>,
    %get3A_565 = arith.constant 384 : index
    %get3A_566 = tpu.vector_load %arg20[%get3A_565] {strides = array<i32>} : memref<1024xf32, #tpu.memory_space<vmem>>, vector<16xf32>,
    %mul3A_567 = arith.mulf %gather3A_564, %get3A_566 : vector<16xf32>
    %add3A_568 = arith.addf %add3A_557, %mul3A_567 : vector<16xf32>
    %get3A_569 = arith.constant 400 : index
    %get3A_570 = tpu.vector_load %arg20[%get3A_569] {strides = array<i32>} : memref<1024xf32, #tpu.memory_space<vmem>>, vector<16xf32>,
    %mul3A_571 = arith.mulf %gather3A_564, %get3A_570 : vector<16xf32>
    %add3A_572 = arith.addf %add3A_561, %mul3A_571 : vector<16xf32>
    %get3A_573 = arith.constant 208 : index
    %get3A_574 = tpu.vector_load %arg19[%get3A_573] {strides = array<i32>} : memref<320xi32, #tpu.memory_space<vmem>>, vector<16xi32>,
    %gather3A_575 = tpu.vector_load_idx %arg21[%get3A_574] : memref<32xf32, #tpu.memory_space<vmem>>[vector<16xi32>], vector<16xf32>,
    %get3A_576 = arith.constant 416 : index
    %get3A_577 = tpu.vector_load %arg20[%get3A_576] {strides = array<i32>} : memref<1024xf32, #tpu.memory_space<vmem>>, vector<16xf32>,
    %mul3A_578 = arith.mulf %gather3A_575, %get3A_577 : vector<16xf32>
    %add3A_579 = arith.addf %add3A_568, %mul3A_578 : vector<16xf32>
    %get3A_580 = arith.constant 432 : index
    %get3A_581 = tpu.vector_load %arg20[%get3A_580] {strides = array<i32>} : memref<1024xf32, #tpu.memory_space<vmem>>, vector<16xf32>,
    %mul3A_582 = arith.mulf %gather3A_575, %get3A_581 : vector<16xf32>
    %add3A_583 = arith.addf %add3A_572, %mul3A_582 : vector<16xf32>
    %get3A_584 = arith.constant 224 : index
    %get3A_585 = tpu.vector_load %arg19[%get3A_584] {strides = array<i32>} : memref<320xi32, #tpu.memory_space<vmem>>, vector<16xi32>,
    %gather3A_586 = tpu.vector_load_idx %arg21[%get3A_585] : memref<32xf32, #tpu.memory_space<vmem>>[vector<16xi32>], vector<16xf32>,
    %get3A_587 = arith.constant 448 : index
    %get3A_588 = tpu.vector_load %arg20[%get3A_587] {strides = array<i32>} : memref<1024xf32, #tpu.memory_space<vmem>>, vector<16xf32>,
    %mul3A_589 = arith.mulf %gather3A_586, %get3A_588 : vector<16xf32>
    %add3A_590 = arith.addf %add3A_579, %mul3A_589 : vector<16xf32>
    %get3A_591 = arith.constant 464 : index
    %get3A_592 = tpu.vector_load %arg20[%get3A_591] {strides = array<i32>} : memref<1024xf32, #tpu.memory_space<vmem>>, vector<16xf32>,
    %mul3A_593 = arith.mulf %gather3A_586, %get3A_592 : vector<16xf32>
    %add3A_594 = arith.addf %add3A_583, %mul3A_593 : vector<16xf32>
    %get3A_595 = arith.constant 240 : index
    %get3A_596 = tpu.vector_load %arg19[%get3A_595] {strides = array<i32>} : memref<320xi32, #tpu.memory_space<vmem>>, vector<16xi32>,
    %gather3A_597 = tpu.vector_load_idx %arg21[%get3A_596] : memref<32xf32, #tpu.memory_space<vmem>>[vector<16xi32>], vector<16xf32>,
    %get3A_598 = arith.constant 480 : index
    %get3A_599 = tpu.vector_load %arg20[%get3A_598] {strides = array<i32>} : memref<1024xf32, #tpu.memory_space<vmem>>, vector<16xf32>,
    %mul3A_600 = arith.mulf %gather3A_597, %get3A_599 : vector<16xf32>
    %add3A_601 = arith.addf %add3A_590, %mul3A_600 : vector<16xf32>
    %get3A_602 = arith.constant 496 : index
    %get3A_603 = tpu.vector_load %arg20[%get3A_602] {strides = array<i32>} : memref<1024xf32, #tpu.memory_space<vmem>>, vector<16xf32>,
    %mul3A_604 = arith.mulf %gather3A_597, %get3A_603 : vector<16xf32>
    %add3A_605 = arith.addf %add3A_594, %mul3A_604 : vector<16xf32>
    %get3A_606 = arith.constant 256 : index
    %get3A_607 = tpu.vector_load %arg19[%get3A_606] {strides = array<i32>} : memref<320xi32, #tpu.memory_space<vmem>>, vector<16xi32>,
    %gather3A_608 = tpu.vector_load_idx %arg21[%get3A_607] : memref<32xf32, #tpu.memory_space<vmem>>[vector<16xi32>], vector<16xf32>,
    %get3A_609 = arith.constant 512 : index
    %get3A_610 = tpu.vector_load %arg20[%get3A_609] {strides = array<i32>} : memref<1024xf32, #tpu.memory_space<vmem>>, vector<16xf32>,
    %mul3A_611 = arith.mulf %gather3A_608, %get3A_610 : vector<16xf32>
    %add3A_612 = arith.addf %add3A_601, %mul3A_611 : vector<16xf32>
    %get3A_613 = arith.constant 528 : index
    %get3A_614 = tpu.vector_load %arg20[%get3A_613] {strides = array<i32>} : memref<1024xf32, #tpu.memory_space<vmem>>, vector<16xf32>,
    %mul3A_615 = arith.mulf %gather3A_608, %get3A_614 : vector<16xf32>
    %add3A_616 = arith.addf %add3A_605, %mul3A_615 : vector<16xf32>
    %get3A_617 = arith.constant 272 : index
    %get3A_618 = tpu.vector_load %arg19[%get3A_617] {strides = array<i32>} : memref<320xi32, #tpu.memory_space<vmem>>, vector<16xi32>,
    %gather3A_619 = tpu.vector_load_idx %arg21[%get3A_618] : memref<32xf32, #tpu.memory_space<vmem>>[vector<16xi32>], vector<16xf32>,
    %get3A_620 = arith.constant 544 : index
    %get3A_621 = tpu.vector_load %arg20[%get3A_620] {strides = array<i32>} : memref<1024xf32, #tpu.memory_space<vmem>>, vector<16xf32>,
    %mul3A_622 = arith.mulf %gather3A_619, %get3A_621 : vector<16xf32>
    %add3A_623 = arith.addf %add3A_612, %mul3A_622 : vector<16xf32>
    %get3A_624 = arith.constant 560 : index
    %get3A_625 = tpu.vector_load %arg20[%get3A_624] {strides = array<i32>} : memref<1024xf32, #tpu.memory_space<vmem>>, vector<16xf32>,
    %mul3A_626 = arith.mulf %gather3A_619, %get3A_625 : vector<16xf32>
    %add3A_627 = arith.addf %add3A_616, %mul3A_626 : vector<16xf32>
    %get3A_628 = arith.constant 288 : index
    %get3A_629 = tpu.vector_load %arg19[%get3A_628] {strides = array<i32>} : memref<320xi32, #tpu.memory_space<vmem>>, vector<16xi32>,
    %gather3A_630 = tpu.vector_load_idx %arg21[%get3A_629] : memref<32xf32, #tpu.memory_space<vmem>>[vector<16xi32>], vector<16xf32>,
    %get3A_631 = arith.constant 576 : index
    %get3A_632 = tpu.vector_load %arg20[%get3A_631] {strides = array<i32>} : memref<1024xf32, #tpu.memory_space<vmem>>, vector<16xf32>,
    %mul3A_633 = arith.mulf %gather3A_630, %get3A_632 : vector<16xf32>
    %add3A_634 = arith.addf %add3A_623, %mul3A_633 : vector<16xf32>
    %get3A_635 = arith.constant 592 : index
    %get3A_636 = tpu.vector_load %arg20[%get3A_635] {strides = array<i32>} : memref<1024xf32, #tpu.memory_space<vmem>>, vector<16xf32>,
    %mul3A_637 = arith.mulf %gather3A_630, %get3A_636 : vector<16xf32>
    %add3A_638 = arith.addf %add3A_627, %mul3A_637 : vector<16xf32>
    %get3A_639 = arith.constant 304 : index
    %get3A_640 = tpu.vector_load %arg19[%get3A_639] {strides = array<i32>} : memref<320xi32, #tpu.memory_space<vmem>>, vector<16xi32>,
    %gather3A_641 = tpu.vector_load_idx %arg21[%get3A_640] : memref<32xf32, #tpu.memory_space<vmem>>[vector<16xi32>], vector<16xf32>,
    %get3A_642 = arith.constant 608 : index
    %get3A_643 = tpu.vector_load %arg20[%get3A_642] {strides = array<i32>} : memref<1024xf32, #tpu.memory_space<vmem>>, vector<16xf32>,
    %mul3A_644 = arith.mulf %gather3A_641, %get3A_643 : vector<16xf32>
    %add3A_645 = arith.addf %add3A_634, %mul3A_644 : vector<16xf32>
    %get3A_646 = arith.constant 624 : index
    %get3A_647 = tpu.vector_load %arg20[%get3A_646] {strides = array<i32>} : memref<1024xf32, #tpu.memory_space<vmem>>, vector<16xf32>,
    %mul3A_648 = arith.mulf %gather3A_641, %get3A_647 : vector<16xf32>
    %add3A_649 = arith.addf %add3A_638, %mul3A_648 : vector<16xf32>
    %mul3A_650 = arith.constant -2.000000e+00 : f32
    %mul3A_651 = vector.broadcast %mul3A_650 : f32 to vector<16xf32>
    %mul3A_652 = arith.mulf %mul3A_651, %add3A_645 : vector<16xf32>
    %exp3A = math.exp %mul3A_652 : vector<16xf32>
    %add3A_653 = arith.constant 1.000000e+00 : f32
    %add3A_654 = vector.broadcast %add3A_653 : f32 to vector<16xf32>
    %add3A_655 = arith.addf %add3A_654, %exp3A : vector<16xf32>
    %div3A = arith.constant 2.000000e+00 : f32
    %div3A_656 = vector.broadcast %div3A : f32 to vector<16xf32>
    %div3A_657 = arith.divf %div3A_656, %add3A_655 : vector<16xf32>
    %sub3A = arith.constant 1.000000e+00 : f32
    %sub3A_658 = vector.broadcast %sub3A : f32 to vector<16xf32>
    %sub3A_659 = arith.subf %div3A_657, %sub3A_658 : vector<16xf32>
    %mul3A_660 = arith.constant -2.000000e+00 : f32
    %mul3A_661 = vector.broadcast %mul3A_660 : f32 to vector<16xf32>
    %mul3A_662 = arith.mulf %mul3A_661, %add3A_649 : vector<16xf32>
    %exp3A_663 = math.exp %mul3A_662 : vector<16xf32>
    %add3A_664 = arith.constant 1.000000e+00 : f32
    %add3A_665 = vector.broadcast %add3A_664 : f32 to vector<16xf32>
    %add3A_666 = arith.addf %add3A_665, %exp3A_663 : vector<16xf32>
    %div3A_667 = arith.constant 2.000000e+00 : f32
    %div3A_668 = vector.broadcast %div3A_667 : f32 to vector<16xf32>
    %div3A_669 = arith.divf %div3A_668, %add3A_666 : vector<16xf32>
    %sub3A_670 = arith.constant 1.000000e+00 : f32
    %sub3A_671 = vector.broadcast %sub3A_670 : f32 to vector<16xf32>
    %sub3A_672 = arith.subf %div3A_669, %sub3A_671 : vector<16xf32>
    %sub3A_673 = arith.subf %sub3A_659, %add3A_645 : vector<16xf32>
    %mul3A_674 = arith.mulf %get3A_428, %sub3A_673 : vector<16xf32>
    %add3A_675 = arith.addf %add3A_645, %mul3A_674 : vector<16xf32>
    %swap3A_676 = arith.constant 0 : index
    %swap3A_677 = tpu.vector_load %arg21[%swap3A_676] {strides = array<i32>} : memref<32xf32, #tpu.memory_space<vmem>>, vector<16xf32>,
    tpu.vector_store %arg21[%swap3A_676], %add3A_675 {strides = array<i32>} : memref<32xf32, #tpu.memory_space<vmem>>, vector<16xf32>,
    %sub3A_678 = arith.subf %sub3A_672, %add3A_649 : vector<16xf32>
    %mul3A_679 = arith.mulf %get3A_430, %sub3A_678 : vector<16xf32>
    %add3A_680 = arith.addf %add3A_649, %mul3A_679 : vector<16xf32>
    %swap3A_681 = arith.constant 16 : index
    %swap3A_682 = tpu.vector_load %arg21[%swap3A_681] {strides = array<i32>} : memref<32xf32, #tpu.memory_space<vmem>>, vector<16xf32>,
    tpu.vector_store %arg21[%swap3A_681], %add3A_680 {strides = array<i32>} : memref<32xf32, #tpu.memory_space<vmem>>, vector<16xf32>,
    %get3A_683 = arith.constant 0 : index
    %get3A_684 = tpu.vector_load %arg19[%get3A_683] {strides = array<i32>} : memref<320xi32, #tpu.memory_space<vmem>>, vector<16xi32>,
    %gather3A_685 = tpu.vector_load_idx %arg21[%get3A_684] : memref<32xf32, #tpu.memory_space<vmem>>[vector<16xi32>], vector<16xf32>,
    %get3A_686 = arith.constant 0 : index
    %get3A_687 = tpu.vector_load %arg20[%get3A_686] {strides = array<i32>} : memref<1024xf32, #tpu.memory_space<vmem>>, vector<16xf32>,
    %mul3A_688 = arith.mulf %gather3A_685, %get3A_687 : vector<16xf32>
    %add3A_689 = arith.addf %get3A_424, %mul3A_688 : vector<16xf32>
    %get3A_690 = arith.constant 16 : index
    %get3A_691 = tpu.vector_load %arg20[%get3A_690] {strides = array<i32>} : memref<1024xf32, #tpu.memory_space<vmem>>, vector<16xf32>,
    %mul3A_692 = arith.mulf %gather3A_685, %get3A_691 : vector<16xf32>
    %add3A_693 = arith.addf %get3A_426, %mul3A_692 : vector<16xf32>
    %get3A_694 = arith.constant 16 : index
    %get3A_695 = tpu.vector_load %arg19[%get3A_694] {strides = array<i32>} : memref<320xi32, #tpu.memory_space<vmem>>, vector<16xi32>,
    %gather3A_696 = tpu.vector_load_idx %arg21[%get3A_695] : memref<32xf32, #tpu.memory_space<vmem>>[vector<16xi32>], vector<16xf32>,
    %get3A_697 = arith.constant 32 : index
    %get3A_698 = tpu.vector_load %arg20[%get3A_697] {strides = array<i32>} : memref<1024xf32, #tpu.memory_space<vmem>>, vector<16xf32>,
    %mul3A_699 = arith.mulf %gather3A_696, %get3A_698 : vector<16xf32>
    %add3A_700 = arith.addf %add3A_689, %mul3A_699 : vector<16xf32>
    %get3A_701 = arith.constant 48 : index
    %get3A_702 = tpu.vector_load %arg20[%get3A_701] {strides = array<i32>} : memref<1024xf32, #tpu.memory_space<vmem>>, vector<16xf32>,
    %mul3A_703 = arith.mulf %gather3A_696, %get3A_702 : vector<16xf32>
    %add3A_704 = arith.addf %add3A_693, %mul3A_703 : vector<16xf32>
    %get3A_705 = arith.constant 32 : index
    %get3A_706 = tpu.vector_load %arg19[%get3A_705] {strides = array<i32>} : memref<320xi32, #tpu.memory_space<vmem>>, vector<16xi32>,
    %gather3A_707 = tpu.vector_load_idx %arg21[%get3A_706] : memref<32xf32, #tpu.memory_space<vmem>>[vector<16xi32>], vector<16xf32>,
    %get3A_708 = arith.constant 64 : index
    %get3A_709 = tpu.vector_load %arg20[%get3A_708] {strides = array<i32>} : memref<1024xf32, #tpu.memory_space<vmem>>, vector<16xf32>,
    %mul3A_710 = arith.mulf %gather3A_707, %get3A_709 : vector<16xf32>
    %add3A_711 = arith.addf %add3A_700, %mul3A_710 : vector<16xf32>
    %get3A_712 = arith.constant 80 : index
    %get3A_713 = tpu.vector_load %arg20[%get3A_712] {strides = array<i32>} : memref<1024xf32, #tpu.memory_space<vmem>>, vector<16xf32>,
    %mul3A_714 = arith.mulf %gather3A_707, %get3A_713 : vector<16xf32>
    %add3A_715 = arith.addf %add3A_704, %mul3A_714 : vector<16xf32>
    %get3A_716 = arith.constant 48 : index
    %get3A_717 = tpu.vector_load %arg19[%get3A_716] {strides = array<i32>} : memref<320xi32, #tpu.memory_space<vmem>>, vector<16xi32>,
    %gather3A_718 = tpu.vector_load_idx %arg21[%get3A_717] : memref<32xf32, #tpu.memory_space<vmem>>[vector<16xi32>], vector<16xf32>,
    %get3A_719 = arith.constant 96 : index
    %get3A_720 = tpu.vector_load %arg20[%get3A_719] {strides = array<i32>} : memref<1024xf32, #tpu.memory_space<vmem>>, vector<16xf32>,
    %mul3A_721 = arith.mulf %gather3A_718, %get3A_720 : vector<16xf32>
    %add3A_722 = arith.addf %add3A_711, %mul3A_721 : vector<16xf32>
    %get3A_723 = arith.constant 112 : index
    %get3A_724 = tpu.vector_load %arg20[%get3A_723] {strides = array<i32>} : memref<1024xf32, #tpu.memory_space<vmem>>, vector<16xf32>,
    %mul3A_725 = arith.mulf %gather3A_718, %get3A_724 : vector<16xf32>
    %add3A_726 = arith.addf %add3A_715, %mul3A_725 : vector<16xf32>
    %get3A_727 = arith.constant 64 : index
    %get3A_728 = tpu.vector_load %arg19[%get3A_727] {strides = array<i32>} : memref<320xi32, #tpu.memory_space<vmem>>, vector<16xi32>,
    %gather3A_729 = tpu.vector_load_idx %arg21[%get3A_728] : memref<32xf32, #tpu.memory_space<vmem>>[vector<16xi32>], vector<16xf32>,
    %get3A_730 = arith.constant 128 : index
    %get3A_731 = tpu.vector_load %arg20[%get3A_730] {strides = array<i32>} : memref<1024xf32, #tpu.memory_space<vmem>>, vector<16xf32>,
    %mul3A_732 = arith.mulf %gather3A_729, %get3A_731 : vector<16xf32>
    %add3A_733 = arith.addf %add3A_722, %mul3A_732 : vector<16xf32>
    %get3A_734 = arith.constant 144 : index
    %get3A_735 = tpu.vector_load %arg20[%get3A_734] {strides = array<i32>} : memref<1024xf32, #tpu.memory_space<vmem>>, vector<16xf32>,
    %mul3A_736 = arith.mulf %gather3A_729, %get3A_735 : vector<16xf32>
    %add3A_737 = arith.addf %add3A_726, %mul3A_736 : vector<16xf32>
    %get3A_738 = arith.constant 80 : index
    %get3A_739 = tpu.vector_load %arg19[%get3A_738] {strides = array<i32>} : memref<320xi32, #tpu.memory_space<vmem>>, vector<16xi32>,
    %gather3A_740 = tpu.vector_load_idx %arg21[%get3A_739] : memref<32xf32, #tpu.memory_space<vmem>>[vector<16xi32>], vector<16xf32>,
    %get3A_741 = arith.constant 160 : index
    %get3A_742 = tpu.vector_load %arg20[%get3A_741] {strides = array<i32>} : memref<1024xf32, #tpu.memory_space<vmem>>, vector<16xf32>,
    %mul3A_743 = arith.mulf %gather3A_740, %get3A_742 : vector<16xf32>
    %add3A_744 = arith.addf %add3A_733, %mul3A_743 : vector<16xf32>
    %get3A_745 = arith.constant 176 : index
    %get3A_746 = tpu.vector_load %arg20[%get3A_745] {strides = array<i32>} : memref<1024xf32, #tpu.memory_space<vmem>>, vector<16xf32>,
    %mul3A_747 = arith.mulf %gather3A_740, %get3A_746 : vector<16xf32>
    %add3A_748 = arith.addf %add3A_737, %mul3A_747 : vector<16xf32>
    %get3A_749 = arith.constant 96 : index
    %get3A_750 = tpu.vector_load %arg19[%get3A_749] {strides = array<i32>} : memref<320xi32, #tpu.memory_space<vmem>>, vector<16xi32>,
    %gather3A_751 = tpu.vector_load_idx %arg21[%get3A_750] : memref<32xf32, #tpu.memory_space<vmem>>[vector<16xi32>], vector<16xf32>,
    %get3A_752 = arith.constant 192 : index
    %get3A_753 = tpu.vector_load %arg20[%get3A_752] {strides = array<i32>} : memref<1024xf32, #tpu.memory_space<vmem>>, vector<16xf32>,
    %mul3A_754 = arith.mulf %gather3A_751, %get3A_753 : vector<16xf32>
    %add3A_755 = arith.addf %add3A_744, %mul3A_754 : vector<16xf32>
    %get3A_756 = arith.constant 208 : index
    %get3A_757 = tpu.vector_load %arg20[%get3A_756] {strides = array<i32>} : memref<1024xf32, #tpu.memory_space<vmem>>, vector<16xf32>,
    %mul3A_758 = arith.mulf %gather3A_751, %get3A_757 : vector<16xf32>
    %add3A_759 = arith.addf %add3A_748, %mul3A_758 : vector<16xf32>
    %get3A_760 = arith.constant 112 : index
    %get3A_761 = tpu.vector_load %arg19[%get3A_760] {strides = array<i32>} : memref<320xi32, #tpu.memory_space<vmem>>, vector<16xi32>,
    %gather3A_762 = tpu.vector_load_idx %arg21[%get3A_761] : memref<32xf32, #tpu.memory_space<vmem>>[vector<16xi32>], vector<16xf32>,
    %get3A_763 = arith.constant 224 : index
    %get3A_764 = tpu.vector_load %arg20[%get3A_763] {strides = array<i32>} : memref<1024xf32, #tpu.memory_space<vmem>>, vector<16xf32>,
    %mul3A_765 = arith.mulf %gather3A_762, %get3A_764 : vector<16xf32>
    %add3A_766 = arith.addf %add3A_755, %mul3A_765 : vector<16xf32>
    %get3A_767 = arith.constant 240 : index
    %get3A_768 = tpu.vector_load %arg20[%get3A_767] {strides = array<i32>} : memref<1024xf32, #tpu.memory_space<vmem>>, vector<16xf32>,
    %mul3A_769 = arith.mulf %gather3A_762, %get3A_768 : vector<16xf32>
    %add3A_770 = arith.addf %add3A_759, %mul3A_769 : vector<16xf32>
    %get3A_771 = arith.constant 128 : index
    %get3A_772 = tpu.vector_load %arg19[%get3A_771] {strides = array<i32>} : memref<320xi32, #tpu.memory_space<vmem>>, vector<16xi32>,
    %gather3A_773 = tpu.vector_load_idx %arg21[%get3A_772] : memref<32xf32, #tpu.memory_space<vmem>>[vector<16xi32>], vector<16xf32>,
    %get3A_774 = arith.constant 256 : index
    %get3A_775 = tpu.vector_load %arg20[%get3A_774] {strides = array<i32>} : memref<1024xf32, #tpu.memory_space<vmem>>, vector<16xf32>,
    %mul3A_776 = arith.mulf %gather3A_773, %get3A_775 : vector<16xf32>
    %add3A_777 = arith.addf %add3A_766, %mul3A_776 : vector<16xf32>
    %get3A_778 = arith.constant 272 : index
    %get3A_779 = tpu.vector_load %arg20[%get3A_778] {strides = array<i32>} : memref<1024xf32, #tpu.memory_space<vmem>>, vector<16xf32>,
    %mul3A_780 = arith.mulf %gather3A_773, %get3A_779 : vector<16xf32>
    %add3A_781 = arith.addf %add3A_770, %mul3A_780 : vector<16xf32>
    %get3A_782 = arith.constant 144 : index
    %get3A_783 = tpu.vector_load %arg19[%get3A_782] {strides = array<i32>} : memref<320xi32, #tpu.memory_space<vmem>>, vector<16xi32>,
    %gather3A_784 = tpu.vector_load_idx %arg21[%get3A_783] : memref<32xf32, #tpu.memory_space<vmem>>[vector<16xi32>], vector<16xf32>,
    %get3A_785 = arith.constant 288 : index
    %get3A_786 = tpu.vector_load %arg20[%get3A_785] {strides = array<i32>} : memref<1024xf32, #tpu.memory_space<vmem>>, vector<16xf32>,
    %mul3A_787 = arith.mulf %gather3A_784, %get3A_786 : vector<16xf32>
    %add3A_788 = arith.addf %add3A_777, %mul3A_787 : vector<16xf32>
    %get3A_789 = arith.constant 304 : index
    %get3A_790 = tpu.vector_load %arg20[%get3A_789] {strides = array<i32>} : memref<1024xf32, #tpu.memory_space<vmem>>, vector<16xf32>,
    %mul3A_791 = arith.mulf %gather3A_784, %get3A_790 : vector<16xf32>
    %add3A_792 = arith.addf %add3A_781, %mul3A_791 : vector<16xf32>
    %get3A_793 = arith.constant 160 : index
    %get3A_794 = tpu.vector_load %arg19[%get3A_793] {strides = array<i32>} : memref<320xi32, #tpu.memory_space<vmem>>, vector<16xi32>,
    %gather3A_795 = tpu.vector_load_idx %arg21[%get3A_794] : memref<32xf32, #tpu.memory_space<vmem>>[vector<16xi32>], vector<16xf32>,
    %get3A_796 = arith.constant 320 : index
    %get3A_797 = tpu.vector_load %arg20[%get3A_796] {strides = array<i32>} : memref<1024xf32, #tpu.memory_space<vmem>>, vector<16xf32>,
    %mul3A_798 = arith.mulf %gather3A_795, %get3A_797 : vector<16xf32>
    %add3A_799 = arith.addf %add3A_788, %mul3A_798 : vector<16xf32>
    %get3A_800 = arith.constant 336 : index
    %get3A_801 = tpu.vector_load %arg20[%get3A_800] {strides = array<i32>} : memref<1024xf32, #tpu.memory_space<vmem>>, vector<16xf32>,
    %mul3A_802 = arith.mulf %gather3A_795, %get3A_801 : vector<16xf32>
    %add3A_803 = arith.addf %add3A_792, %mul3A_802 : vector<16xf32>
    %get3A_804 = arith.constant 176 : index
    %get3A_805 = tpu.vector_load %arg19[%get3A_804] {strides = array<i32>} : memref<320xi32, #tpu.memory_space<vmem>>, vector<16xi32>,
    %gather3A_806 = tpu.vector_load_idx %arg21[%get3A_805] : memref<32xf32, #tpu.memory_space<vmem>>[vector<16xi32>], vector<16xf32>,
    %get3A_807 = arith.constant 352 : index
    %get3A_808 = tpu.vector_load %arg20[%get3A_807] {strides = array<i32>} : memref<1024xf32, #tpu.memory_space<vmem>>, vector<16xf32>,
    %mul3A_809 = arith.mulf %gather3A_806, %get3A_808 : vector<16xf32>
    %add3A_810 = arith.addf %add3A_799, %mul3A_809 : vector<16xf32>
    %get3A_811 = arith.constant 368 : index
    %get3A_812 = tpu.vector_load %arg20[%get3A_811] {strides = array<i32>} : memref<1024xf32, #tpu.memory_space<vmem>>, vector<16xf32>,
    %mul3A_813 = arith.mulf %gather3A_806, %get3A_812 : vector<16xf32>
    %add3A_814 = arith.addf %add3A_803, %mul3A_813 : vector<16xf32>
    %get3A_815 = arith.constant 192 : index
    %get3A_816 = tpu.vector_load %arg19[%get3A_815] {strides = array<i32>} : memref<320xi32, #tpu.memory_space<vmem>>, vector<16xi32>,
    %gather3A_817 = tpu.vector_load_idx %arg21[%get3A_816] : memref<32xf32, #tpu.memory_space<vmem>>[vector<16xi32>], vector<16xf32>,
    %get3A_818 = arith.constant 384 : index
    %get3A_819 = tpu.vector_load %arg20[%get3A_818] {strides = array<i32>} : memref<1024xf32, #tpu.memory_space<vmem>>, vector<16xf32>,
    %mul3A_820 = arith.mulf %gather3A_817, %get3A_819 : vector<16xf32>
    %add3A_821 = arith.addf %add3A_810, %mul3A_820 : vector<16xf32>
    %get3A_822 = arith.constant 400 : index
    %get3A_823 = tpu.vector_load %arg20[%get3A_822] {strides = array<i32>} : memref<1024xf32, #tpu.memory_space<vmem>>, vector<16xf32>,
    %mul3A_824 = arith.mulf %gather3A_817, %get3A_823 : vector<16xf32>
    %add3A_825 = arith.addf %add3A_814, %mul3A_824 : vector<16xf32>
    %get3A_826 = arith.constant 208 : index
    %get3A_827 = tpu.vector_load %arg19[%get3A_826] {strides = array<i32>} : memref<320xi32, #tpu.memory_space<vmem>>, vector<16xi32>,
    %gather3A_828 = tpu.vector_load_idx %arg21[%get3A_827] : memref<32xf32, #tpu.memory_space<vmem>>[vector<16xi32>], vector<16xf32>,
    %get3A_829 = arith.constant 416 : index
    %get3A_830 = tpu.vector_load %arg20[%get3A_829] {strides = array<i32>} : memref<1024xf32, #tpu.memory_space<vmem>>, vector<16xf32>,
    %mul3A_831 = arith.mulf %gather3A_828, %get3A_830 : vector<16xf32>
    %add3A_832 = arith.addf %add3A_821, %mul3A_831 : vector<16xf32>
    %get3A_833 = arith.constant 432 : index
    %get3A_834 = tpu.vector_load %arg20[%get3A_833] {strides = array<i32>} : memref<1024xf32, #tpu.memory_space<vmem>>, vector<16xf32>,
    %mul3A_835 = arith.mulf %gather3A_828, %get3A_834 : vector<16xf32>
    %add3A_836 = arith.addf %add3A_825, %mul3A_835 : vector<16xf32>
    %get3A_837 = arith.constant 224 : index
    %get3A_838 = tpu.vector_load %arg19[%get3A_837] {strides = array<i32>} : memref<320xi32, #tpu.memory_space<vmem>>, vector<16xi32>,
    %gather3A_839 = tpu.vector_load_idx %arg21[%get3A_838] : memref<32xf32, #tpu.memory_space<vmem>>[vector<16xi32>], vector<16xf32>,
    %get3A_840 = arith.constant 448 : index
    %get3A_841 = tpu.vector_load %arg20[%get3A_840] {strides = array<i32>} : memref<1024xf32, #tpu.memory_space<vmem>>, vector<16xf32>,
    %mul3A_842 = arith.mulf %gather3A_839, %get3A_841 : vector<16xf32>
    %add3A_843 = arith.addf %add3A_832, %mul3A_842 : vector<16xf32>
    %get3A_844 = arith.constant 464 : index
    %get3A_845 = tpu.vector_load %arg20[%get3A_844] {strides = array<i32>} : memref<1024xf32, #tpu.memory_space<vmem>>, vector<16xf32>,
    %mul3A_846 = arith.mulf %gather3A_839, %get3A_845 : vector<16xf32>
    %add3A_847 = arith.addf %add3A_836, %mul3A_846 : vector<16xf32>
    %get3A_848 = arith.constant 240 : index
    %get3A_849 = tpu.vector_load %arg19[%get3A_848] {strides = array<i32>} : memref<320xi32, #tpu.memory_space<vmem>>, vector<16xi32>,
    %gather3A_850 = tpu.vector_load_idx %arg21[%get3A_849] : memref<32xf32, #tpu.memory_space<vmem>>[vector<16xi32>], vector<16xf32>,
    %get3A_851 = arith.constant 480 : index
    %get3A_852 = tpu.vector_load %arg20[%get3A_851] {strides = array<i32>} : memref<1024xf32, #tpu.memory_space<vmem>>, vector<16xf32>,
    %mul3A_853 = arith.mulf %gather3A_850, %get3A_852 : vector<16xf32>
    %add3A_854 = arith.addf %add3A_843, %mul3A_853 : vector<16xf32>
    %get3A_855 = arith.constant 496 : index
    %get3A_856 = tpu.vector_load %arg20[%get3A_855] {strides = array<i32>} : memref<1024xf32, #tpu.memory_space<vmem>>, vector<16xf32>,
    %mul3A_857 = arith.mulf %gather3A_850, %get3A_856 : vector<16xf32>
    %add3A_858 = arith.addf %add3A_847, %mul3A_857 : vector<16xf32>
    %get3A_859 = arith.constant 256 : index
    %get3A_860 = tpu.vector_load %arg19[%get3A_859] {strides = array<i32>} : memref<320xi32, #tpu.memory_space<vmem>>, vector<16xi32>,
    %gather3A_861 = tpu.vector_load_idx %arg21[%get3A_860] : memref<32xf32, #tpu.memory_space<vmem>>[vector<16xi32>], vector<16xf32>,
    %get3A_862 = arith.constant 512 : index
    %get3A_863 = tpu.vector_load %arg20[%get3A_862] {strides = array<i32>} : memref<1024xf32, #tpu.memory_space<vmem>>, vector<16xf32>,
    %mul3A_864 = arith.mulf %gather3A_861, %get3A_863 : vector<16xf32>
    %add3A_865 = arith.addf %add3A_854, %mul3A_864 : vector<16xf32>
    %get3A_866 = arith.constant 528 : index
    %get3A_867 = tpu.vector_load %arg20[%get3A_866] {strides = array<i32>} : memref<1024xf32, #tpu.memory_space<vmem>>, vector<16xf32>,
    %mul3A_868 = arith.mulf %gather3A_861, %get3A_867 : vector<16xf32>
    %add3A_869 = arith.addf %add3A_858, %mul3A_868 : vector<16xf32>
    %get3A_870 = arith.constant 272 : index
    %get3A_871 = tpu.vector_load %arg19[%get3A_870] {strides = array<i32>} : memref<320xi32, #tpu.memory_space<vmem>>, vector<16xi32>,
    %gather3A_872 = tpu.vector_load_idx %arg21[%get3A_871] : memref<32xf32, #tpu.memory_space<vmem>>[vector<16xi32>], vector<16xf32>,
    %get3A_873 = arith.constant 544 : index
    %get3A_874 = tpu.vector_load %arg20[%get3A_873] {strides = array<i32>} : memref<1024xf32, #tpu.memory_space<vmem>>, vector<16xf32>,
    %mul3A_875 = arith.mulf %gather3A_872, %get3A_874 : vector<16xf32>
    %add3A_876 = arith.addf %add3A_865, %mul3A_875 : vector<16xf32>
    %get3A_877 = arith.constant 560 : index
    %get3A_878 = tpu.vector_load %arg20[%get3A_877] {strides = array<i32>} : memref<1024xf32, #tpu.memory_space<vmem>>, vector<16xf32>,
    %mul3A_879 = arith.mulf %gather3A_872, %get3A_878 : vector<16xf32>
    %add3A_880 = arith.addf %add3A_869, %mul3A_879 : vector<16xf32>
    %get3A_881 = arith.constant 288 : index
    %get3A_882 = tpu.vector_load %arg19[%get3A_881] {strides = array<i32>} : memref<320xi32, #tpu.memory_space<vmem>>, vector<16xi32>,
    %gather3A_883 = tpu.vector_load_idx %arg21[%get3A_882] : memref<32xf32, #tpu.memory_space<vmem>>[vector<16xi32>], vector<16xf32>,
    %get3A_884 = arith.constant 576 : index
    %get3A_885 = tpu.vector_load %arg20[%get3A_884] {strides = array<i32>} : memref<1024xf32, #tpu.memory_space<vmem>>, vector<16xf32>,
    %mul3A_886 = arith.mulf %gather3A_883, %get3A_885 : vector<16xf32>
    %add3A_887 = arith.addf %add3A_876, %mul3A_886 : vector<16xf32>
    %get3A_888 = arith.constant 592 : index
    %get3A_889 = tpu.vector_load %arg20[%get3A_888] {strides = array<i32>} : memref<1024xf32, #tpu.memory_space<vmem>>, vector<16xf32>,
    %mul3A_890 = arith.mulf %gather3A_883, %get3A_889 : vector<16xf32>
    %add3A_891 = arith.addf %add3A_880, %mul3A_890 : vector<16xf32>
    %get3A_892 = arith.constant 304 : index
    %get3A_893 = tpu.vector_load %arg19[%get3A_892] {strides = array<i32>} : memref<320xi32, #tpu.memory_space<vmem>>, vector<16xi32>,
    %gather3A_894 = tpu.vector_load_idx %arg21[%get3A_893] : memref<32xf32, #tpu.memory_space<vmem>>[vector<16xi32>], vector<16xf32>,
    %get3A_895 = arith.constant 608 : index
    %get3A_896 = tpu.vector_load %arg20[%get3A_895] {strides = array<i32>} : memref<1024xf32, #tpu.memory_space<vmem>>, vector<16xf32>,
    %mul3A_897 = arith.mulf %gather3A_894, %get3A_896 : vector<16xf32>
    %add3A_898 = arith.addf %add3A_887, %mul3A_897 : vector<16xf32>
    %get3A_899 = arith.constant 624 : index
    %get3A_900 = tpu.vector_load %arg20[%get3A_899] {strides = array<i32>} : memref<1024xf32, #tpu.memory_space<vmem>>, vector<16xf32>,
    %mul3A_901 = arith.mulf %gather3A_894, %get3A_900 : vector<16xf32>
    %add3A_902 = arith.addf %add3A_891, %mul3A_901 : vector<16xf32>
    %mul3A_903 = arith.constant -2.000000e+00 : f32
    %mul3A_904 = vector.broadcast %mul3A_903 : f32 to vector<16xf32>
    %mul3A_905 = arith.mulf %mul3A_904, %add3A_898 : vector<16xf32>
    %exp3A_906 = math.exp %mul3A_905 : vector<16xf32>
    %add3A_907 = arith.constant 1.000000e+00 : f32
    %add3A_908 = vector.broadcast %add3A_907 : f32 to vector<16xf32>
    %add3A_909 = arith.addf %add3A_908, %exp3A_906 : vector<16xf32>
    %div3A_910 = arith.constant 2.000000e+00 : f32
    %div3A_911 = vector.broadcast %div3A_910 : f32 to vector<16xf32>
    %div3A_912 = arith.divf %div3A_911, %add3A_909 : vector<16xf32>
    %sub3A_913 = arith.constant 1.000000e+00 : f32
    %sub3A_914 = vector.broadcast %sub3A_913 : f32 to vector<16xf32>
    %sub3A_915 = arith.subf %div3A_912, %sub3A_914 : vector<16xf32>
    %mul3A_916 = arith.constant -2.000000e+00 : f32
    %mul3A_917 = vector.broadcast %mul3A_916 : f32 to vector<16xf32>
    %mul3A_918 = arith.mulf %mul3A_917, %add3A_902 : vector<16xf32>
    %exp3A_919 = math.exp %mul3A_918 : vector<16xf32>
    %add3A_920 = arith.constant 1.000000e+00 : f32
    %add3A_921 = vector.broadcast %add3A_920 : f32 to vector<16xf32>
    %add3A_922 = arith.addf %add3A_921, %exp3A_919 : vector<16xf32>
    %div3A_923 = arith.constant 2.000000e+00 : f32
    %div3A_924 = vector.broadcast %div3A_923 : f32 to vector<16xf32>
    %div3A_925 = arith.divf %div3A_924, %add3A_922 : vector<16xf32>
    %sub3A_926 = arith.constant 1.000000e+00 : f32
    %sub3A_927 = vector.broadcast %sub3A_926 : f32 to vector<16xf32>
    %sub3A_928 = arith.subf %div3A_925, %sub3A_927 : vector<16xf32>
    %sub3A_929 = arith.subf %sub3A_915, %add3A_898 : vector<16xf32>
    %mul3A_930 = arith.mulf %get3A_428, %sub3A_929 : vector<16xf32>
    %add3A_931 = arith.addf %add3A_898, %mul3A_930 : vector<16xf32>
    %swap3A_932 = arith.constant 0 : index
    %swap3A_933 = tpu.vector_load %arg21[%swap3A_932] {strides = array<i32>} : memref<32xf32, #tpu.memory_space<vmem>>, vector<16xf32>,
    tpu.vector_store %arg21[%swap3A_932], %add3A_931 {strides = array<i32>} : memref<32xf32, #tpu.memory_space<vmem>>, vector<16xf32>,
    %sub3A_934 = arith.subf %sub3A_928, %add3A_902 : vector<16xf32>
    %mul3A_935 = arith.mulf %get3A_430, %sub3A_934 : vector<16xf32>
    %add3A_936 = arith.addf %add3A_902, %mul3A_935 : vector<16xf32>
    %swap3A_937 = arith.constant 16 : index
    %swap3A_938 = tpu.vector_load %arg21[%swap3A_937] {strides = array<i32>} : memref<32xf32, #tpu.memory_space<vmem>>, vector<16xf32>,
    tpu.vector_store %arg21[%swap3A_937], %add3A_936 {strides = array<i32>} : memref<32xf32, #tpu.memory_space<vmem>>, vector<16xf32>,
    %get3A_939 = arith.constant 0 : index
    %get3A_940 = tpu.vector_load %arg19[%get3A_939] {strides = array<i32>} : memref<320xi32, #tpu.memory_space<vmem>>, vector<16xi32>,
    %gather3A_941 = tpu.vector_load_idx %arg21[%get3A_940] : memref<32xf32, #tpu.memory_space<vmem>>[vector<16xi32>], vector<16xf32>,
    %get3A_942 = arith.constant 0 : index
    %get3A_943 = tpu.vector_load %arg20[%get3A_942] {strides = array<i32>} : memref<1024xf32, #tpu.memory_space<vmem>>, vector<16xf32>,
    %mul3A_944 = arith.mulf %gather3A_941, %get3A_943 : vector<16xf32>
    %add3A_945 = arith.addf %get3A_424, %mul3A_944 : vector<16xf32>
    %get3A_946 = arith.constant 16 : index
    %get3A_947 = tpu.vector_load %arg20[%get3A_946] {strides = array<i32>} : memref<1024xf32, #tpu.memory_space<vmem>>, vector<16xf32>,
    %mul3A_948 = arith.mulf %gather3A_941, %get3A_947 : vector<16xf32>
    %add3A_949 = arith.addf %get3A_426, %mul3A_948 : vector<16xf32>
    %get3A_950 = arith.constant 16 : index
    %get3A_951 = tpu.vector_load %arg19[%get3A_950] {strides = array<i32>} : memref<320xi32, #tpu.memory_space<vmem>>, vector<16xi32>,
    %gather3A_952 = tpu.vector_load_idx %arg21[%get3A_951] : memref<32xf32, #tpu.memory_space<vmem>>[vector<16xi32>], vector<16xf32>,
    %get3A_953 = arith.constant 32 : index
    %get3A_954 = tpu.vector_load %arg20[%get3A_953] {strides = array<i32>} : memref<1024xf32, #tpu.memory_space<vmem>>, vector<16xf32>,
    %mul3A_955 = arith.mulf %gather3A_952, %get3A_954 : vector<16xf32>
    %add3A_956 = arith.addf %add3A_945, %mul3A_955 : vector<16xf32>
    %get3A_957 = arith.constant 48 : index
    %get3A_958 = tpu.vector_load %arg20[%get3A_957] {strides = array<i32>} : memref<1024xf32, #tpu.memory_space<vmem>>, vector<16xf32>,
    %mul3A_959 = arith.mulf %gather3A_952, %get3A_958 : vector<16xf32>
    %add3A_960 = arith.addf %add3A_949, %mul3A_959 : vector<16xf32>
    %get3A_961 = arith.constant 32 : index
    %get3A_962 = tpu.vector_load %arg19[%get3A_961] {strides = array<i32>} : memref<320xi32, #tpu.memory_space<vmem>>, vector<16xi32>,
    %gather3A_963 = tpu.vector_load_idx %arg21[%get3A_962] : memref<32xf32, #tpu.memory_space<vmem>>[vector<16xi32>], vector<16xf32>,
    %get3A_964 = arith.constant 64 : index
    %get3A_965 = tpu.vector_load %arg20[%get3A_964] {strides = array<i32>} : memref<1024xf32, #tpu.memory_space<vmem>>, vector<16xf32>,
    %mul3A_966 = arith.mulf %gather3A_963, %get3A_965 : vector<16xf32>
    %add3A_967 = arith.addf %add3A_956, %mul3A_966 : vector<16xf32>
    %get3A_968 = arith.constant 80 : index
    %get3A_969 = tpu.vector_load %arg20[%get3A_968] {strides = array<i32>} : memref<1024xf32, #tpu.memory_space<vmem>>, vector<16xf32>,
    %mul3A_970 = arith.mulf %gather3A_963, %get3A_969 : vector<16xf32>
    %add3A_971 = arith.addf %add3A_960, %mul3A_970 : vector<16xf32>
    %get3A_972 = arith.constant 48 : index
    %get3A_973 = tpu.vector_load %arg19[%get3A_972] {strides = array<i32>} : memref<320xi32, #tpu.memory_space<vmem>>, vector<16xi32>,
    %gather3A_974 = tpu.vector_load_idx %arg21[%get3A_973] : memref<32xf32, #tpu.memory_space<vmem>>[vector<16xi32>], vector<16xf32>,
    %get3A_975 = arith.constant 96 : index
    %get3A_976 = tpu.vector_load %arg20[%get3A_975] {strides = array<i32>} : memref<1024xf32, #tpu.memory_space<vmem>>, vector<16xf32>,
    %mul3A_977 = arith.mulf %gather3A_974, %get3A_976 : vector<16xf32>
    %add3A_978 = arith.addf %add3A_967, %mul3A_977 : vector<16xf32>
    %get3A_979 = arith.constant 112 : index
    %get3A_980 = tpu.vector_load %arg20[%get3A_979] {strides = array<i32>} : memref<1024xf32, #tpu.memory_space<vmem>>, vector<16xf32>,
    %mul3A_981 = arith.mulf %gather3A_974, %get3A_980 : vector<16xf32>
    %add3A_982 = arith.addf %add3A_971, %mul3A_981 : vector<16xf32>
    %get3A_983 = arith.constant 64 : index
    %get3A_984 = tpu.vector_load %arg19[%get3A_983] {strides = array<i32>} : memref<320xi32, #tpu.memory_space<vmem>>, vector<16xi32>,
    %gather3A_985 = tpu.vector_load_idx %arg21[%get3A_984] : memref<32xf32, #tpu.memory_space<vmem>>[vector<16xi32>], vector<16xf32>,
    %get3A_986 = arith.constant 128 : index
    %get3A_987 = tpu.vector_load %arg20[%get3A_986] {strides = array<i32>} : memref<1024xf32, #tpu.memory_space<vmem>>, vector<16xf32>,
    %mul3A_988 = arith.mulf %gather3A_985, %get3A_987 : vector<16xf32>
    %add3A_989 = arith.addf %add3A_978, %mul3A_988 : vector<16xf32>
    %get3A_990 = arith.constant 144 : index
    %get3A_991 = tpu.vector_load %arg20[%get3A_990] {strides = array<i32>} : memref<1024xf32, #tpu.memory_space<vmem>>, vector<16xf32>,
    %mul3A_992 = arith.mulf %gather3A_985, %get3A_991 : vector<16xf32>
    %add3A_993 = arith.addf %add3A_982, %mul3A_992 : vector<16xf32>
    %get3A_994 = arith.constant 80 : index
    %get3A_995 = tpu.vector_load %arg19[%get3A_994] {strides = array<i32>} : memref<320xi32, #tpu.memory_space<vmem>>, vector<16xi32>,
    %gather3A_996 = tpu.vector_load_idx %arg21[%get3A_995] : memref<32xf32, #tpu.memory_space<vmem>>[vector<16xi32>], vector<16xf32>,
    %get3A_997 = arith.constant 160 : index
    %get3A_998 = tpu.vector_load %arg20[%get3A_997] {strides = array<i32>} : memref<1024xf32, #tpu.memory_space<vmem>>, vector<16xf32>,
    %mul3A_999 = arith.mulf %gather3A_996, %get3A_998 : vector<16xf32>
    %add3A_1000 = arith.addf %add3A_989, %mul3A_999 : vector<16xf32>
    %get3A_1001 = arith.constant 176 : index
    %get3A_1002 = tpu.vector_load %arg20[%get3A_1001] {strides = array<i32>} : memref<1024xf32, #tpu.memory_space<vmem>>, vector<16xf32>,
    %mul3A_1003 = arith.mulf %gather3A_996, %get3A_1002 : vector<16xf32>
    %add3A_1004 = arith.addf %add3A_993, %mul3A_1003 : vector<16xf32>
    %get3A_1005 = arith.constant 96 : index
    %get3A_1006 = tpu.vector_load %arg19[%get3A_1005] {strides = array<i32>} : memref<320xi32, #tpu.memory_space<vmem>>, vector<16xi32>,
    %gather3A_1007 = tpu.vector_load_idx %arg21[%get3A_1006] : memref<32xf32, #tpu.memory_space<vmem>>[vector<16xi32>], vector<16xf32>,
    %get3A_1008 = arith.constant 192 : index
    %get3A_1009 = tpu.vector_load %arg20[%get3A_1008] {strides = array<i32>} : memref<1024xf32, #tpu.memory_space<vmem>>, vector<16xf32>,
    %mul3A_1010 = arith.mulf %gather3A_1007, %get3A_1009 : vector<16xf32>
    %add3A_1011 = arith.addf %add3A_1000, %mul3A_1010 : vector<16xf32>
    %get3A_1012 = arith.constant 208 : index
    %get3A_1013 = tpu.vector_load %arg20[%get3A_1012] {strides = array<i32>} : memref<1024xf32, #tpu.memory_space<vmem>>, vector<16xf32>,
    %mul3A_1014 = arith.mulf %gather3A_1007, %get3A_1013 : vector<16xf32>
    %add3A_1015 = arith.addf %add3A_1004, %mul3A_1014 : vector<16xf32>
    %get3A_1016 = arith.constant 112 : index
    %get3A_1017 = tpu.vector_load %arg19[%get3A_1016] {strides = array<i32>} : memref<320xi32, #tpu.memory_space<vmem>>, vector<16xi32>,
    %gather3A_1018 = tpu.vector_load_idx %arg21[%get3A_1017] : memref<32xf32, #tpu.memory_space<vmem>>[vector<16xi32>], vector<16xf32>,
    %get3A_1019 = arith.constant 224 : index
    %get3A_1020 = tpu.vector_load %arg20[%get3A_1019] {strides = array<i32>} : memref<1024xf32, #tpu.memory_space<vmem>>, vector<16xf32>,
    %mul3A_1021 = arith.mulf %gather3A_1018, %get3A_1020 : vector<16xf32>
    %add3A_1022 = arith.addf %add3A_1011, %mul3A_1021 : vector<16xf32>
    %get3A_1023 = arith.constant 240 : index
    %get3A_1024 = tpu.vector_load %arg20[%get3A_1023] {strides = array<i32>} : memref<1024xf32, #tpu.memory_space<vmem>>, vector<16xf32>,
    %mul3A_1025 = arith.mulf %gather3A_1018, %get3A_1024 : vector<16xf32>
    %add3A_1026 = arith.addf %add3A_1015, %mul3A_1025 : vector<16xf32>
    %get3A_1027 = arith.constant 128 : index
    %get3A_1028 = tpu.vector_load %arg19[%get3A_1027] {strides = array<i32>} : memref<320xi32, #tpu.memory_space<vmem>>, vector<16xi32>,
    %gather3A_1029 = tpu.vector_load_idx %arg21[%get3A_1028] : memref<32xf32, #tpu.memory_space<vmem>>[vector<16xi32>], vector<16xf32>,
    %get3A_1030 = arith.constant 256 : index
    %get3A_1031 = tpu.vector_load %arg20[%get3A_1030] {strides = array<i32>} : memref<1024xf32, #tpu.memory_space<vmem>>, vector<16xf32>,
    %mul3A_1032 = arith.mulf %gather3A_1029, %get3A_1031 : vector<16xf32>
    %add3A_1033 = arith.addf %add3A_1022, %mul3A_1032 : vector<16xf32>
    %get3A_1034 = arith.constant 272 : index
    %get3A_1035 = tpu.vector_load %arg20[%get3A_1034] {strides = array<i32>} : memref<1024xf32, #tpu.memory_space<vmem>>, vector<16xf32>,
    %mul3A_1036 = arith.mulf %gather3A_1029, %get3A_1035 : vector<16xf32>
    %add3A_1037 = arith.addf %add3A_1026, %mul3A_1036 : vector<16xf32>
    %get3A_1038 = arith.constant 144 : index
    %get3A_1039 = tpu.vector_load %arg19[%get3A_1038] {strides = array<i32>} : memref<320xi32, #tpu.memory_space<vmem>>, vector<16xi32>,
    %gather3A_1040 = tpu.vector_load_idx %arg21[%get3A_1039] : memref<32xf32, #tpu.memory_space<vmem>>[vector<16xi32>], vector<16xf32>,
    %get3A_1041 = arith.constant 288 : index
    %get3A_1042 = tpu.vector_load %arg20[%get3A_1041] {strides = array<i32>} : memref<1024xf32, #tpu.memory_space<vmem>>, vector<16xf32>,
    %mul3A_1043 = arith.mulf %gather3A_1040, %get3A_1042 : vector<16xf32>
    %add3A_1044 = arith.addf %add3A_1033, %mul3A_1043 : vector<16xf32>
    %get3A_1045 = arith.constant 304 : index
    %get3A_1046 = tpu.vector_load %arg20[%get3A_1045] {strides = array<i32>} : memref<1024xf32, #tpu.memory_space<vmem>>, vector<16xf32>,
    %mul3A_1047 = arith.mulf %gather3A_1040, %get3A_1046 : vector<16xf32>
    %add3A_1048 = arith.addf %add3A_1037, %mul3A_1047 : vector<16xf32>
    %get3A_1049 = arith.constant 160 : index
    %get3A_1050 = tpu.vector_load %arg19[%get3A_1049] {strides = array<i32>} : memref<320xi32, #tpu.memory_space<vmem>>, vector<16xi32>,
    %gather3A_1051 = tpu.vector_load_idx %arg21[%get3A_1050] : memref<32xf32, #tpu.memory_space<vmem>>[vector<16xi32>], vector<16xf32>,
    %get3A_1052 = arith.constant 320 : index
    %get3A_1053 = tpu.vector_load %arg20[%get3A_1052] {strides = array<i32>} : memref<1024xf32, #tpu.memory_space<vmem>>, vector<16xf32>,
    %mul3A_1054 = arith.mulf %gather3A_1051, %get3A_1053 : vector<16xf32>
    %add3A_1055 = arith.addf %add3A_1044, %mul3A_1054 : vector<16xf32>
    %get3A_1056 = arith.constant 336 : index
    %get3A_1057 = tpu.vector_load %arg20[%get3A_1056] {strides = array<i32>} : memref<1024xf32, #tpu.memory_space<vmem>>, vector<16xf32>,
    %mul3A_1058 = arith.mulf %gather3A_1051, %get3A_1057 : vector<16xf32>
    %add3A_1059 = arith.addf %add3A_1048, %mul3A_1058 : vector<16xf32>
    %get3A_1060 = arith.constant 176 : index
    %get3A_1061 = tpu.vector_load %arg19[%get3A_1060] {strides = array<i32>} : memref<320xi32, #tpu.memory_space<vmem>>, vector<16xi32>,
    %gather3A_1062 = tpu.vector_load_idx %arg21[%get3A_1061] : memref<32xf32, #tpu.memory_space<vmem>>[vector<16xi32>], vector<16xf32>,
    %get3A_1063 = arith.constant 352 : index
    %get3A_1064 = tpu.vector_load %arg20[%get3A_1063] {strides = array<i32>} : memref<1024xf32, #tpu.memory_space<vmem>>, vector<16xf32>,
    %mul3A_1065 = arith.mulf %gather3A_1062, %get3A_1064 : vector<16xf32>
    %add3A_1066 = arith.addf %add3A_1055, %mul3A_1065 : vector<16xf32>
    %get3A_1067 = arith.constant 368 : index
    %get3A_1068 = tpu.vector_load %arg20[%get3A_1067] {strides = array<i32>} : memref<1024xf32, #tpu.memory_space<vmem>>, vector<16xf32>,
    %mul3A_1069 = arith.mulf %gather3A_1062, %get3A_1068 : vector<16xf32>
    %add3A_1070 = arith.addf %add3A_1059, %mul3A_1069 : vector<16xf32>
    %get3A_1071 = arith.constant 192 : index
    %get3A_1072 = tpu.vector_load %arg19[%get3A_1071] {strides = array<i32>} : memref<320xi32, #tpu.memory_space<vmem>>, vector<16xi32>,
    %gather3A_1073 = tpu.vector_load_idx %arg21[%get3A_1072] : memref<32xf32, #tpu.memory_space<vmem>>[vector<16xi32>], vector<16xf32>,
    %get3A_1074 = arith.constant 384 : index
    %get3A_1075 = tpu.vector_load %arg20[%get3A_1074] {strides = array<i32>} : memref<1024xf32, #tpu.memory_space<vmem>>, vector<16xf32>,
    %mul3A_1076 = arith.mulf %gather3A_1073, %get3A_1075 : vector<16xf32>
    %add3A_1077 = arith.addf %add3A_1066, %mul3A_1076 : vector<16xf32>
    %get3A_1078 = arith.constant 400 : index
    %get3A_1079 = tpu.vector_load %arg20[%get3A_1078] {strides = array<i32>} : memref<1024xf32, #tpu.memory_space<vmem>>, vector<16xf32>,
    %mul3A_1080 = arith.mulf %gather3A_1073, %get3A_1079 : vector<16xf32>
    %add3A_1081 = arith.addf %add3A_1070, %mul3A_1080 : vector<16xf32>
    %get3A_1082 = arith.constant 208 : index
    %get3A_1083 = tpu.vector_load %arg19[%get3A_1082] {strides = array<i32>} : memref<320xi32, #tpu.memory_space<vmem>>, vector<16xi32>,
    %gather3A_1084 = tpu.vector_load_idx %arg21[%get3A_1083] : memref<32xf32, #tpu.memory_space<vmem>>[vector<16xi32>], vector<16xf32>,
    %get3A_1085 = arith.constant 416 : index
    %get3A_1086 = tpu.vector_load %arg20[%get3A_1085] {strides = array<i32>} : memref<1024xf32, #tpu.memory_space<vmem>>, vector<16xf32>,
    %mul3A_1087 = arith.mulf %gather3A_1084, %get3A_1086 : vector<16xf32>
    %add3A_1088 = arith.addf %add3A_1077, %mul3A_1087 : vector<16xf32>
    %get3A_1089 = arith.constant 432 : index
    %get3A_1090 = tpu.vector_load %arg20[%get3A_1089] {strides = array<i32>} : memref<1024xf32, #tpu.memory_space<vmem>>, vector<16xf32>,
    %mul3A_1091 = arith.mulf %gather3A_1084, %get3A_1090 : vector<16xf32>
    %add3A_1092 = arith.addf %add3A_1081, %mul3A_1091 : vector<16xf32>
    %get3A_1093 = arith.constant 224 : index
    %get3A_1094 = tpu.vector_load %arg19[%get3A_1093] {strides = array<i32>} : memref<320xi32, #tpu.memory_space<vmem>>, vector<16xi32>,
    %gather3A_1095 = tpu.vector_load_idx %arg21[%get3A_1094] : memref<32xf32, #tpu.memory_space<vmem>>[vector<16xi32>], vector<16xf32>,
    %get3A_1096 = arith.constant 448 : index
    %get3A_1097 = tpu.vector_load %arg20[%get3A_1096] {strides = array<i32>} : memref<1024xf32, #tpu.memory_space<vmem>>, vector<16xf32>,
    %mul3A_1098 = arith.mulf %gather3A_1095, %get3A_1097 : vector<16xf32>
    %add3A_1099 = arith.addf %add3A_1088, %mul3A_1098 : vector<16xf32>
    %get3A_1100 = arith.constant 464 : index
    %get3A_1101 = tpu.vector_load %arg20[%get3A_1100] {strides = array<i32>} : memref<1024xf32, #tpu.memory_space<vmem>>, vector<16xf32>,
    %mul3A_1102 = arith.mulf %gather3A_1095, %get3A_1101 : vector<16xf32>
    %add3A_1103 = arith.addf %add3A_1092, %mul3A_1102 : vector<16xf32>
    %get3A_1104 = arith.constant 240 : index
    %get3A_1105 = tpu.vector_load %arg19[%get3A_1104] {strides = array<i32>} : memref<320xi32, #tpu.memory_space<vmem>>, vector<16xi32>,
    %gather3A_1106 = tpu.vector_load_idx %arg21[%get3A_1105] : memref<32xf32, #tpu.memory_space<vmem>>[vector<16xi32>], vector<16xf32>,
    %get3A_1107 = arith.constant 480 : index
    %get3A_1108 = tpu.vector_load %arg20[%get3A_1107] {strides = array<i32>} : memref<1024xf32, #tpu.memory_space<vmem>>, vector<16xf32>,
    %mul3A_1109 = arith.mulf %gather3A_1106, %get3A_1108 : vector<16xf32>
    %add3A_1110 = arith.addf %add3A_1099, %mul3A_1109 : vector<16xf32>
    %get3A_1111 = arith.constant 496 : index
    %get3A_1112 = tpu.vector_load %arg20[%get3A_1111] {strides = array<i32>} : memref<1024xf32, #tpu.memory_space<vmem>>, vector<16xf32>,
    %mul3A_1113 = arith.mulf %gather3A_1106, %get3A_1112 : vector<16xf32>
    %add3A_1114 = arith.addf %add3A_1103, %mul3A_1113 : vector<16xf32>
    %get3A_1115 = arith.constant 256 : index
    %get3A_1116 = tpu.vector_load %arg19[%get3A_1115] {strides = array<i32>} : memref<320xi32, #tpu.memory_space<vmem>>, vector<16xi32>,
    %gather3A_1117 = tpu.vector_load_idx %arg21[%get3A_1116] : memref<32xf32, #tpu.memory_space<vmem>>[vector<16xi32>], vector<16xf32>,
    %get3A_1118 = arith.constant 512 : index
    %get3A_1119 = tpu.vector_load %arg20[%get3A_1118] {strides = array<i32>} : memref<1024xf32, #tpu.memory_space<vmem>>, vector<16xf32>,
    %mul3A_1120 = arith.mulf %gather3A_1117, %get3A_1119 : vector<16xf32>
    %add3A_1121 = arith.addf %add3A_1110, %mul3A_1120 : vector<16xf32>
    %get3A_1122 = arith.constant 528 : index
    %get3A_1123 = tpu.vector_load %arg20[%get3A_1122] {strides = array<i32>} : memref<1024xf32, #tpu.memory_space<vmem>>, vector<16xf32>,
    %mul3A_1124 = arith.mulf %gather3A_1117, %get3A_1123 : vector<16xf32>
    %add3A_1125 = arith.addf %add3A_1114, %mul3A_1124 : vector<16xf32>
    %get3A_1126 = arith.constant 272 : index
    %get3A_1127 = tpu.vector_load %arg19[%get3A_1126] {strides = array<i32>} : memref<320xi32, #tpu.memory_space<vmem>>, vector<16xi32>,
    %gather3A_1128 = tpu.vector_load_idx %arg21[%get3A_1127] : memref<32xf32, #tpu.memory_space<vmem>>[vector<16xi32>], vector<16xf32>,
    %get3A_1129 = arith.constant 544 : index
    %get3A_1130 = tpu.vector_load %arg20[%get3A_1129] {strides = array<i32>} : memref<1024xf32, #tpu.memory_space<vmem>>, vector<16xf32>,
    %mul3A_1131 = arith.mulf %gather3A_1128, %get3A_1130 : vector<16xf32>
    %add3A_1132 = arith.addf %add3A_1121, %mul3A_1131 : vector<16xf32>
    %get3A_1133 = arith.constant 560 : index
    %get3A_1134 = tpu.vector_load %arg20[%get3A_1133] {strides = array<i32>} : memref<1024xf32, #tpu.memory_space<vmem>>, vector<16xf32>,
    %mul3A_1135 = arith.mulf %gather3A_1128, %get3A_1134 : vector<16xf32>
    %add3A_1136 = arith.addf %add3A_1125, %mul3A_1135 : vector<16xf32>
    %get3A_1137 = arith.constant 288 : index
    %get3A_1138 = tpu.vector_load %arg19[%get3A_1137] {strides = array<i32>} : memref<320xi32, #tpu.memory_space<vmem>>, vector<16xi32>,
    %gather3A_1139 = tpu.vector_load_idx %arg21[%get3A_1138] : memref<32xf32, #tpu.memory_space<vmem>>[vector<16xi32>], vector<16xf32>,
    %get3A_1140 = arith.constant 576 : index
    %get3A_1141 = tpu.vector_load %arg20[%get3A_1140] {strides = array<i32>} : memref<1024xf32, #tpu.memory_space<vmem>>, vector<16xf32>,
    %mul3A_1142 = arith.mulf %gather3A_1139, %get3A_1141 : vector<16xf32>
    %add3A_1143 = arith.addf %add3A_1132, %mul3A_1142 : vector<16xf32>
    %get3A_1144 = arith.constant 592 : index
    %get3A_1145 = tpu.vector_load %arg20[%get3A_1144] {strides = array<i32>} : memref<1024xf32, #tpu.memory_space<vmem>>, vector<16xf32>,
    %mul3A_1146 = arith.mulf %gather3A_1139, %get3A_1145 : vector<16xf32>
    %add3A_1147 = arith.addf %add3A_1136, %mul3A_1146 : vector<16xf32>
    %get3A_1148 = arith.constant 304 : index
    %get3A_1149 = tpu.vector_load %arg19[%get3A_1148] {strides = array<i32>} : memref<320xi32, #tpu.memory_space<vmem>>, vector<16xi32>,
    %gather3A_1150 = tpu.vector_load_idx %arg21[%get3A_1149] : memref<32xf32, #tpu.memory_space<vmem>>[vector<16xi32>], vector<16xf32>,
    %get3A_1151 = arith.constant 608 : index
    %get3A_1152 = tpu.vector_load %arg20[%get3A_1151] {strides = array<i32>} : memref<1024xf32, #tpu.memory_space<vmem>>, vector<16xf32>,
    %mul3A_1153 = arith.mulf %gather3A_1150, %get3A_1152 : vector<16xf32>
    %add3A_1154 = arith.addf %add3A_1143, %mul3A_1153 : vector<16xf32>
    %get3A_1155 = arith.constant 624 : index
    %get3A_1156 = tpu.vector_load %arg20[%get3A_1155] {strides = array<i32>} : memref<1024xf32, #tpu.memory_space<vmem>>, vector<16xf32>,
    %mul3A_1157 = arith.mulf %gather3A_1150, %get3A_1156 : vector<16xf32>
    %add3A_1158 = arith.addf %add3A_1147, %mul3A_1157 : vector<16xf32>
    %mul3A_1159 = arith.constant -2.000000e+00 : f32
    %mul3A_1160 = vector.broadcast %mul3A_1159 : f32 to vector<16xf32>
    %mul3A_1161 = arith.mulf %mul3A_1160, %add3A_1154 : vector<16xf32>
    %exp3A_1162 = math.exp %mul3A_1161 : vector<16xf32>
    %add3A_1163 = arith.constant 1.000000e+00 : f32
    %add3A_1164 = vector.broadcast %add3A_1163 : f32 to vector<16xf32>
    %add3A_1165 = arith.addf %add3A_1164, %exp3A_1162 : vector<16xf32>
    %div3A_1166 = arith.constant 2.000000e+00 : f32
    %div3A_1167 = vector.broadcast %div3A_1166 : f32 to vector<16xf32>
    %div3A_1168 = arith.divf %div3A_1167, %add3A_1165 : vector<16xf32>
    %sub3A_1169 = arith.constant 1.000000e+00 : f32
    %sub3A_1170 = vector.broadcast %sub3A_1169 : f32 to vector<16xf32>
    %sub3A_1171 = arith.subf %div3A_1168, %sub3A_1170 : vector<16xf32>
    %mul3A_1172 = arith.constant -2.000000e+00 : f32
    %mul3A_1173 = vector.broadcast %mul3A_1172 : f32 to vector<16xf32>
    %mul3A_1174 = arith.mulf %mul3A_1173, %add3A_1158 : vector<16xf32>
    %exp3A_1175 = math.exp %mul3A_1174 : vector<16xf32>
    %add3A_1176 = arith.constant 1.000000e+00 : f32
    %add3A_1177 = vector.broadcast %add3A_1176 : f32 to vector<16xf32>
    %add3A_1178 = arith.addf %add3A_1177, %exp3A_1175 : vector<16xf32>
    %div3A_1179 = arith.constant 2.000000e+00 : f32
    %div3A_1180 = vector.broadcast %div3A_1179 : f32 to vector<16xf32>
    %div3A_1181 = arith.divf %div3A_1180, %add3A_1178 : vector<16xf32>
    %sub3A_1182 = arith.constant 1.000000e+00 : f32
    %sub3A_1183 = vector.broadcast %sub3A_1182 : f32 to vector<16xf32>
    %sub3A_1184 = arith.subf %div3A_1181, %sub3A_1183 : vector<16xf32>
    %sub3A_1185 = arith.subf %sub3A_1171, %add3A_1154 : vector<16xf32>
    %mul3A_1186 = arith.mulf %get3A_428, %sub3A_1185 : vector<16xf32>
    %add3A_1187 = arith.addf %add3A_1154, %mul3A_1186 : vector<16xf32>
    %swap3A_1188 = arith.constant 0 : index
    %swap3A_1189 = tpu.vector_load %arg21[%swap3A_1188] {strides = array<i32>} : memref<32xf32, #tpu.memory_space<vmem>>, vector<16xf32>,
    tpu.vector_store %arg21[%swap3A_1188], %add3A_1187 {strides = array<i32>} : memref<32xf32, #tpu.memory_space<vmem>>, vector<16xf32>,
    %sub3A_1190 = arith.subf %sub3A_1184, %add3A_1158 : vector<16xf32>
    %mul3A_1191 = arith.mulf %get3A_430, %sub3A_1190 : vector<16xf32>
    %add3A_1192 = arith.addf %add3A_1158, %mul3A_1191 : vector<16xf32>
    %swap3A_1193 = arith.constant 16 : index
    %swap3A_1194 = tpu.vector_load %arg21[%swap3A_1193] {strides = array<i32>} : memref<32xf32, #tpu.memory_space<vmem>>, vector<16xf32>,
    tpu.vector_store %arg21[%swap3A_1193], %add3A_1192 {strides = array<i32>} : memref<32xf32, #tpu.memory_space<vmem>>, vector<16xf32>,
    %get3A_1195 = arith.constant 0 : index
    %get3A_1196 = tpu.vector_load %arg17[%get3A_1195] {strides = array<i32>} : memref<16xi32, #tpu.memory_space<vmem>>, vector<16xi32>,
    %lt3A_1197 = arith.constant 2 : i32
    %lt3A_1198 = vector.broadcast %lt3A_1197 : i32 to vector<16xi32>
    %lt3A_1199 = arith.cmpi slt, %iota3A, %lt3A_1198 : vector<16xi32>
    %gather3A_1200 = tpu.vector_load_idx %arg21[%get3A_1196] masked %lt3A_1199 : memref<32xf32, #tpu.memory_space<vmem>>[vector<16xi32>], vector<16xf32>, vector<16xi1>
    %swap3A_1201 = arith.constant 0 : index
    %swap3A_1202 = tpu.vector_load %arg24[%swap3A_1201] {strides = array<i32>} : memref<16xf32, #tpu.memory_space<vmem>>, vector<16xf32>,
    tpu.vector_store %arg24[%swap3A_1201], %gather3A_1200 {strides = array<i32>} : memref<16xf32, #tpu.memory_space<vmem>>, vector<16xf32>,
    "tpu.region"() ({
      %run_scoped3A = tpu.sem_alloc : memref<!tpu.dma_semaphore, #tpu.memory_space<semaphore_mem>>
      %dma_start3A_1203 = arith.constant 0 : i32
      %dma_start3A_1204 = tpu.memref_slice %arg24[%dma_start3A_1203] : memref<16xf32, #tpu.memory_space<vmem>> -> memref<2xf32, #tpu.memory_space<vmem>>
      %dma_start3A_1205 = arith.constant 0 : i32
      %dma_start3A_1206 = tpu.memref_slice %arg24[%dma_start3A_1205] : memref<16xf32, #tpu.memory_space<vmem>> -> memref<2xf32, #tpu.memory_space<vmem>>
      tpu.enqueue_dma source(%dma_start3A_1206 : memref<2xf32, #tpu.memory_space<vmem>>) target(%arg10 : memref<2xf32, #tpu.memory_space<hbm>>) target_semaphore(%run_scoped3A : memref<!tpu.dma_semaphore, #tpu.memory_space<semaphore_mem>>)
      %dma_wait3A_1207 = arith.constant 0 : i32
      %dma_wait3A_1208 = tpu.memref_slice %arg24[%dma_wait3A_1207] : memref<16xf32, #tpu.memory_space<vmem>> -> memref<2xf32, #tpu.memory_space<vmem>>
      %dma_wait3A_1209 = arith.constant 0 : i32
      %dma_wait3A_1210 = tpu.memref_slice %arg24[%dma_wait3A_1209] : memref<16xf32, #tpu.memory_space<vmem>> -> memref<2xf32, #tpu.memory_space<vmem>>
      tpu.wait_dma2 semaphore(%run_scoped3A : memref<!tpu.dma_semaphore, #tpu.memory_space<semaphore_mem>>) src(%dma_wait3A_1210 : memref<2xf32, #tpu.memory_space<vmem>>) dst(%arg10 : memref<2xf32, #tpu.memory_space<hbm>>)
      tpu.yield
    }) : () -> ()
    return
  }
}

</mosaic_0001>

<sc_bundles>
// kernel: kernel.3.cloned.1.call-start
scs
__scs_entry_jumppad:
0x0: {  	(pc) =	sbr.rel $0x88, $3  }
0x1: {  	(tag) =	ssettag $0x0;
	lr =	simm.s32 $0x1  }
0x2: {  	[smem:$0x3F9A] =	sst lr;
	_ =	strace $0xD0000000  }
0x3: {  	_ = 	snop  }
0x4: {  	_ = 	snop  }
0x5: {  	_ = 	snop  }
0x6: {  	_ = 	snop  }
0x7: {  	_ = 	snop  }
__scs_overlays_trampoline_lowered:
0x8: {  	[smem:$0x3FA9] =	sst s0  }
0x9: {  	[smem:$0x3FAA] =	sst s1  }
0xa: {  	[smem:$0x3FAB] =	sst s2  }
0xb: {  	[smem:$0x3FAC] =	sst s3  }
0xc: {  	[smem:$0x3FAD] =	sst s4  }
0xd: {  	[smem:$0x3FAE] =	sst s5  }
0xe: {  	[smem:$0x3FAF] =	sst s6  }
0xf: {  	[smem:$0x3FB0] =	sst s7  }
0x10: {  	[smem:$0x3FB1] =	sst s8  }
0x11: {  	[smem:$0x3FB2] =	sst s9;
	s0 =	simm.s32 @!p0 $0x0  }
0x12: {  	s1 =	sld [smem:$0x3F98];
	s0 =	simm.s32 @p0 $0x1  }
0x13: {  	[smem:$0x3FB3] =	sst s0;
	s0 =	simm.s32 @!p1 $0x0  }
0x14: {  	s2 =	sld [smem:$0x3F97];
	s0 =	simm.s32 @p1 $0x1  }
0x15: {  	[smem:$0x3FB4] =	sst s0;
	s0 =	simm.s32 @!p2 $0x0  }
0x16: {  	s3 =	sld [smem:$0x3FDB];
	s0 =	simm.s32 @p2 $0x1  }
0x17: {  	s4 =	simm.s32 $0x1BF5;
	[smem:$0x3FB6] =	sst s0  }
0x18: {  	s0 =	sld [smem:$0x3F99];
	_ =	swait.ge [sflag:s4], $0x0  }
0x19: {  	s7 =	sld [smem:$0x3F9A]  }
0x1a: {  	s8 =	sadd.s32 $0xFFFFE003, lr  }
0x1b: {  	s9 =	sadd.s32 $0xFFFFFEF7, lr;
	s5 =	simm.s32 $0xFFFFFFFF;
	p2 =	slt.u32 s8, $0xFFFFF086  }
0x1c: {  	p1 =	slt.u32 s9, $0xF7A;
	s5 =	simm.s32 @!p2 $0x0  }
0x1d: {  	s5 =	simm.s32 @p1 $0x1;
	p0 =	seq.s32 s7, s2  }
0x1e: {  	s7 =	smul.u32 @!p0 $0xF7A, s2;
	p2 =	seq.s32 @!p0 s5, $0x0  }
0x1f: {  	s9 =	smul.u32 $0xF7A, s1;
	s8 =	simm.s32 @!p0 $0x1BF5;
	p2 =	por !p2, p0  }
0x20: {  	[sflag:s8] =	ssyncset.s32 @!p0 $0xFFFFF086;
	s6 =	sadd.s32 @!p0 s3, s7;
	s7 =	simm.s32 @!p0 $0x108  }
0x21: {  	s3 =	sadd.s32 s3, s9;
	s6 =	sadd.s32 @!p0 $0x88, s6;
	s7 =	simm.s32 @p2 $0x1082  }
0x22: {  	[simem:s7], [sflag:s8] =	dma.local @!p0 [hbm:s6], $0xF7A  }
0x23: {  	s9 =	sor.u32 $0xD0000000, s2;
	s6 =	simm.s32 $0x108;
	_ =	swait.ge @!p0 [sflag:s8], $0x0  }
0x24: {  	s3 =	sadd.s32 $0x88, s3;
	s6 =	simm.s32 @!p1 $0x1082;
	[sflag:s4] =	ssyncset.s32 $0xFFFFF086  }
0x25: {  	[simem:s6], [sflag:s4] =	dma.local [hbm:s3], $0xF7A  }
0x26: {  	[smem:$0x3F9A] =	sst s1;
	(tag) =	ssettag s2;
	_ =	strace s9  }
0x27: {  	s1 =	sld [smem:$0x3FAA]  }
0x28: {  	s2 =	sld [smem:$0x3FAB]  }
0x29: {  	s4 =	sld [smem:$0x3FAD]  }
0x2a: {  	p0 =	seq.s32 s5, $0x0;
	s5 =	sld [smem:$0x3FAE]  }
0x2b: {  	s6 =	sld [smem:$0x3FAF]  }
0x2c: {  	s7 =	sld [smem:$0x3FB0]  }
0x2d: {  	s3 =	simm.s32 $0x108;
	s8 =	sld [smem:$0x3FB1]  }
0x2e: {  	s3 =	simm.s32 @!p0 $0x1082;
	s9 =	sld [smem:$0x3FB2]  }
0x2f: {  	lr =	sadd.s32 s0, s3;
	s0 =	sld [smem:$0x3FA9]  }
0x30: {  	s3 =	sld [smem:$0x3FAC]  }
0x31: {  	[smem:$0x3FB5] =	sst s10  }
0x32: {  	s10 =	sld [smem:$0x3FB3];
	_ =	sdelay $0x3  }
0x33: {  	p0 =	seq.s32 s10, $0x1;
	s10 =	sld [smem:$0x3FB5];
	_ =	sdelay $0x3  }
0x34: {  	[smem:$0x3FB5] =	sst s10  }
0x35: {  	s10 =	sld [smem:$0x3FB4];
	_ =	sdelay $0x3  }
0x36: {  	p1 =	seq.s32 s10, $0x1;
	s10 =	sld [smem:$0x3FB5];
	_ =	sdelay $0x3  }
0x37: {  	[smem:$0x3FB5] =	sst s10  }
0x38: {  	s10 =	sld [smem:$0x3FB6]  }
0x39: {  	_ = 	snop;
	(pc) =	sbr.ind lr, $3  }
0x3a: {  	_ = 	snop  }
0x3b: {  	_ = 	snop  }
0x3c: {  	p2 =	seq.s32 s10, $0x1;
	s10 =	sld [smem:$0x3FB5]  }
0x3d: {  	_ =	shalt  }
0x3e: {  	_ =	shalt  }
0x3f: {  	_ =	shalt  }
0x40: {  	_ =	shalt  }
0x41: {  	_ =	shalt  }
0x42: {  	_ =	shalt  }
0x43: {  	_ =	shalt  }
0x44: {  	_ =	shalt  }
0x45: {  	_ =	shalt  }
0x46: {  	_ =	shalt  }
0x47: {  	_ =	shalt  }
0x48: {  	_ =	shalt  }
0x49: {  	_ =	shalt  }
0x4a: {  	_ =	shalt  }
0x4b: {  	_ =	shalt  }
0x4c: {  	_ =	shalt  }
0x4d: {  	_ =	shalt  }
0x4e: {  	_ =	shalt  }
0x4f: {  	_ =	shalt  }
0x50: {  	_ =	shalt  }
0x51: {  	_ =	shalt  }
0x52: {  	_ =	shalt  }
0x53: {  	_ =	shalt  }
0x54: {  	_ =	shalt  }
0x55: {  	_ =	shalt  }
0x56: {  	_ =	shalt  }
0x57: {  	_ =	shalt  }
0x58: {  	_ =	shalt  }
0x59: {  	_ =	shalt  }
0x5a: {  	_ =	shalt  }
0x5b: {  	_ =	shalt  }
0x5c: {  	_ =	shalt  }
0x5d: {  	_ =	shalt  }
0x5e: {  	_ =	shalt  }
0x5f: {  	_ =	shalt  }
0x60: {  	_ =	shalt  }
0x61: {  	_ =	shalt  }
0x62: {  	_ =	shalt  }
0x63: {  	_ =	shalt  }
0x64: {  	_ =	shalt  }
0x65: {  	_ =	shalt  }
0x66: {  	_ =	shalt  }
0x67: {  	_ =	shalt  }
0x68: {  	_ =	shalt  }
0x69: {  	_ =	shalt  }
0x6a: {  	_ =	shalt  }
0x6b: {  	_ =	shalt  }
0x6c: {  	_ =	shalt  }
0x6d: {  	_ =	shalt  }
0x6e: {  	_ =	shalt  }
0x6f: {  	_ =	shalt  }
0x70: {  	_ =	shalt  }
0x71: {  	_ =	shalt  }
0x72: {  	_ =	shalt  }
0x73: {  	_ =	shalt  }
0x74: {  	_ =	shalt  }
0x75: {  	_ =	shalt  }
0x76: {  	_ =	shalt  }
0x77: {  	_ =	shalt  }
0x78: {  	_ =	shalt  }
0x79: {  	_ =	shalt  }
0x7a: {  	_ =	shalt  }
0x7b: {  	_ =	shalt  }
0x7c: {  	_ =	shalt  }
0x7d: {  	_ =	shalt  }
0x7e: {  	_ =	shalt  }
0x7f: {  	_ =	shalt  }
0x80: {  	_ =	shalt  }
0x81: {  	_ =	shalt  }
0x82: {  	_ =	shalt  }
0x83: {  	_ =	shalt  }
0x84: {  	_ =	shalt  }
0x85: {  	_ =	shalt  }
0x86: {  	_ =	shalt  }
0x87: {  	_ =	shalt  }
.Lfunc_end0:
.L_simem_size_0:
called_computation_lowered:
.L_overlay_start_0:
0x88: {  	s0 =	sld [smem:$0x3FD9]  }
0x89: {  	s1 =	sld [smem:$0x3FFE];
	_ =	sdelay $0x3  }
0x8a: {  	s0 =	sadd.s32 s1, s0  }
0x8b: {  	[smem:$0x3FC1] =	sst s0  }
0x8c: {  	_ = 	snop  }
0x8d: {  	s0 =	sld [smem:$0x3FC9]  }
0x8e: {  	s16 =	sld [smem:$0x3FC8]  }
0x8f: {  	s2 =	sld [smem:$0x3FC7]  }
0x90: {  	s3 =	sld [smem:$0x3FC5]  }
0x91: {  	s4 =	sld [smem:$0x3FC4]  }
0x92: {  	s5 =	sld [smem:$0x3FC3]  }
0x93: {  	s6 =	sld [smem:$0x3FD0];
	(tm) =	ssettm $0x1  }
0x94: {  	s7 =	sld [smem:$0x3FFB];
	_ =	sdelay $0x3  }
0x95: {  	_ =	strace s7  }
0x96: {  	s7 =	sld [smem:$0x3FFC];
	_ =	sdelay $0x3  }
0x97: {  	_ =	strace s7  }
0x98: {  	s7 =	sld [smem:$0x3FFD];
	_ =	sdelay $0x3  }
0x99: {  	_ =	strace s7  }
0x9a: {  	_ =	strace $0x8FFFFFFF  }
0x9b: {  	s17 =	sld [smem:$0x3FDB];
	_ =	sdelay $0x1  }
0x9c: {  	s8 =	simm.s32 $_scs_section_size  }
0x9d: {  	s9 =	simm.s32 $_size__tile_overlayer_lowered;
	s10 =	simm.s32 $_tile_overlayer_lowered  }
0x9e: {  	s20 =	simm.s32 $0x1BFF;
	s19 =	sshll.u32 s10, $0x1;
	s7 =	sadd.s32 s8, s17  }
0x9f: {  	s11 =	simm.s32 $0x0;
	s18 =	sshll.u32 s9, $0x1;
	s9 =	sadd.s32 s19, s7  }
0xa0: {  	[timem:s11], [sflag:s20] =	dma.local [hbm:s9], s18  }
0xa1: {  	_ =	swait.ge [sflag:s20], s18  }
0xa2: {  	s8 =	ssub.s32 $0x0, s18;
	[sflag:s20] =	ssyncset.done $0x0  }
0xa3: {  	[sflag:s20] =	ssyncadd.s32 s8;
	_ =	sdelay $0x1  }
0xa4: {  	s21 =	simm.s32 $0x1B8B  }
0xa5: {  	_ =	swait.ge [sflag:s21], $0x1  }
0xa6: {  	[sflag:s21] =	ssyncset.done $0x0  }
0xa7: {  	s23 =	simm.s32 $0x1B8E;
	s22 =	sld [smem:$0x3FFE];
	[sflag:s21] =	ssyncadd.s32 $0xFFFFFFFF  }
0xa8: {  	s24 =	simm.s32 $execute0_lowered;
	[smem:$0x3FD2] =	sst s23  }
0xa9: {  	s9 =	sshll.u32 s24, $0x1;
	_ =	strace $0x80000046;
	[dreg:$0x1] =	wrdreg $0xFFFFFFFF  }
0xaa: {  	s25 =	simm.s32 $_size_execute0_lowered;
	s7 =	sadd.s32 s7, s9;
	[dreg:$0x0] =	wrdreg $0x0  }
0xab: {  	s9 =	sshll.u32 s25, $0x1;
	[dreg:$0x2] =	wrdreg s7  }
0xac: {  	[dreg:$0x3] =	wrdreg s9  }
0xad: {  	[dreg:$0x4] =	wrdreg $0xC0  }
0xae: {  	_ =	task [dreg:s11], $0x5FFFF  }
0xaf: {  	[dreg:$0x1] =	wrdreg $0xFFFFFFFF  }
0xb0: {  	[dreg:$0x0] =	wrdreg $0x60  }
0xb1: {  	[dreg:$0x2] =	wrdreg s0  }
0xb2: {  	[dreg:$0x3] =	wrdreg s16  }
0xb3: {  	[dreg:$0x4] =	wrdreg s2  }
0xb4: {  	[dreg:$0x5] =	wrdreg s22  }
0xb5: {  	[dreg:$0x6] =	wrdreg s3  }
0xb6: {  	[dreg:$0x7] =	wrdreg s4  }
0xb7: {  	[dreg:$0x8] =	wrdreg s5  }
0xb8: {  	[dreg:$0x9] =	wrdreg s6  }
0xb9: {  	[dreg:$0xa] =	wrdreg $0x9  }
0xba: {  	_ =	task.clear_ibuf [dreg:s11], $0xBFFFF;
	_ =	strace $0x90000046  }
0xbb: {  	s26 =	simm.s32 $0x9;
	_ =	strace $0x80000048  }
0xbc: {  	_ =	swait.ge [sflag:s26], $0x1  }
0xbd: {  	[sflag:s26] =	ssyncadd.s32 $0xFFFFFFFF  }
0xbe: {  	_ =	strace $0x90000048  }
0xbf: {  	_ =	sfence  }
0xc0: {  	s28 =	sld [smem:$0x0];
	_ =	sdelay $0x1  }
0xc1: {  	s29 =	srdreg.scid  }
0xc2: {  	s30 =	sshll.u32 s29, $0xD;
	s31 =	sshrl.u32 s29, $0x2  }
0xc3: {  	s1 =	sand.u32 $0x1, s29;
	s2 =	sand.u32 $0x4000, s30;
	s0 =	sadd.s32 s31, s28  }
0xc4: {  	s1 =	sor.u32 s2, s1;
	s0 =	sshll.u32 s0, $0x11  }
0xc5: {  	s0 =	sor.u32 s0, s1  }
0xc6: {  	s0 =	sadd.s32 $0x8F2B, s0  }
0xc7: {  	[sflag:s0] =	ssyncadd.remote.s32 $0x1  }
0xc8: {  	_ =	sfence.sel $0xFFFF  }
0xc9: {  	[dreg:$0x0] =	wrdreg $0xFFFFFFFF;
	(pc) =	sbr.abs _section_cstart, $3  }
0xca: {  	[dreg:$0x1] =	wrdreg $0xFFFFFFFF  }
0xcb: {  	_ =	task.clear_ibuf [dreg:s11], $0x2FFFF;
	_ =	strace $0x9FFFFFFF  }
0xcc: {  	(tm) =	ssettm $0x7FFFFFFF  }
0xcd: {  	_ =	shalt  }
tec
execute0_lowered:
.L_overlay_start_1:
0x0: {  	(tag) =	ssettag $0x1  }
0x1: {  	s9 =	rddreg [dreg:$0x0]  }
0x2: {  	s8 =	rddreg [dreg:$0x1]  }
0x3: {  	s7 =	rddreg [dreg:$0x2]  }
0x4: {  	s3 =	rddreg [dreg:$0x3];
	s10 =	stileid.u32  }
0x5: {  	s6 =	rddreg [dreg:$0x4];
	p0 =	sne.s32 s10, $0x0  }
.Ltmp0:
0x6: {  	s5 =	rddreg [dreg:$0x5];
	(pc) =	sbr.rel @p0 .LBB2_2-.Ltmp0, $4  }
0x7: {  	s4 =	rddreg [dreg:$0x6]  }
0x8: {  	s1 =	rddreg [dreg:$0x7];
	s2 =	simm.s32 $0x0  }
0x9: {  	[smem:$0x7FF] =	sst s2  }
0xa: {  	s0 =	rddreg [dreg:$0x8];
	_ =	strace $0x80000047  }
0xb: {  	[tilespmem:s2], [sflag:$0x1] =	stream.linear.gather [hbm4b:s9+s2], $0x4, $0x38;
	[tilespmem:$0xA80] =	vst v63  }
0xc: {  	s14 =	simm.s32 $0x10  }
0xd: {  	[tilespmem:s14], [sflag:$0x1] =	stream.linear.gather [hbm4b:s8+s2], $0x17C, $0x38;
	[tilespmem:$0xA80] =	vst v63  }
0xe: {  	s15 =	simm.s32 $0x190  }
0xf: {  	[tilespmem:s15], [sflag:$0x1] =	stream.linear.gather [hbm4b:s7+s2], $0x10, $0x38;
	[tilespmem:$0xA80] =	vst v63  }
0x10: {  	s16 =	sadd.s32 $0x800, s3;
	s17 =	simm.s32 $0x1A0  }
0x11: {  	[tilespmem:s17], [sflag:$0x1] =	stream.linear.gather [hbm4b:s16+s2], $0x17C, $0x38;
	[tilespmem:$0xA80] =	vst v63  }
0x12: {  	s18 =	simm.s32 $0x320;
	s7 =	sadd.s32 $0x30, s16  }
0x13: {  	[tilespmem:s18], [sflag:$0x1] =	stream.linear.gather [hbm4b:s7+s2], $0x17C, $0x38;
	[tilespmem:$0xA80] =	vst v63  }
0x14: {  	s19 =	simm.s32 $0x4A0  }
0x15: {  	[tilespmem:s19], [sflag:$0x1] =	stream.linear.gather [hbm4b:s6+s2], $0x4, $0x38;
	[tilespmem:$0xA80] =	vst v63  }
0x16: {  	s20 =	simm.s32 $0x4B0  }
0x17: {  	[tilespmem:s20], [sflag:$0x1] =	stream.linear.gather [hbm4b:s5+s2], $0x2, $0x38;
	[tilespmem:$0xA80] =	vst v63  }
0x18: {  	s21 =	simm.s32 $0x4C0  }
0x19: {  	[tilespmem:s21], [sflag:$0x1] =	stream.linear.gather [hbm4b:s4+s2], $0x10, $0x38;
	[tilespmem:$0xA80] =	vst v63  }
0x1a: {  	s22 =	sadd.s32 $0x600, s3;
	s23 =	simm.s32 $0x4D0  }
0x1b: {  	v0 =	vimm.f32 $0.0e+00;
	[tilespmem:s23], [sflag:$0x1] =	stream.linear.gather [hbm4b:s22+s2], $0x140, $0x38;
	[tilespmem:$0xA80] =	vst v63  }
0x1c: {  	[tilespmem:$0x610] =	vst v0  }
0x1d: {  	[tilespmem:$0x620] =	vst v0  }
0x1e: {  	[tilespmem:$0x630] =	vst v0  }
0x1f: {  	[tilespmem:$0x640] =	vst v0  }
0x20: {  	[tilespmem:$0x650] =	vst v0  }
0x21: {  	[tilespmem:$0x660] =	vst v0  }
0x22: {  	[tilespmem:$0x670] =	vst v0  }
0x23: {  	[tilespmem:$0x680] =	vst v0  }
0x24: {  	[tilespmem:$0x690] =	vst v0  }
0x25: {  	[tilespmem:$0x6A0] =	vst v0  }
0x26: {  	[tilespmem:$0x6B0] =	vst v0  }
0x27: {  	[tilespmem:$0x6C0] =	vst v0  }
0x28: {  	[tilespmem:$0x6D0] =	vst v0  }
0x29: {  	[tilespmem:$0x6E0] =	vst v0  }
0x2a: {  	[tilespmem:$0x6F0] =	vst v0  }
0x2b: {  	[tilespmem:$0x700] =	vst v0  }
0x2c: {  	[tilespmem:$0x710] =	vst v0  }
0x2d: {  	[tilespmem:$0x720] =	vst v0  }
0x2e: {  	[tilespmem:$0x730] =	vst v0  }
0x2f: {  	[tilespmem:$0x740] =	vst v0  }
0x30: {  	[tilespmem:$0x750] =	vst v0  }
0x31: {  	[tilespmem:$0x760] =	vst v0  }
0x32: {  	[tilespmem:$0x770] =	vst v0  }
0x33: {  	[tilespmem:$0x780] =	vst v0  }
0x34: {  	[tilespmem:$0x790] =	vst v0  }
0x35: {  	[tilespmem:$0x7A0] =	vst v0  }
0x36: {  	[tilespmem:$0x7B0] =	vst v0  }
0x37: {  	[tilespmem:$0x7C0] =	vst v0  }
0x38: {  	[tilespmem:$0x7D0] =	vst v0  }
0x39: {  	[tilespmem:$0x7E0] =	vst v0  }
0x3a: {  	[tilespmem:$0x7F0] =	vst v0  }
0x3b: {  	[tilespmem:$0x800] =	vst v0  }
0x3c: {  	[tilespmem:$0x810] =	vst v0  }
0x3d: {  	[tilespmem:$0x820] =	vst v0  }
0x3e: {  	[tilespmem:$0x830] =	vst v0  }
0x3f: {  	[tilespmem:$0x840] =	vst v0  }
0x40: {  	[tilespmem:$0x850] =	vst v0  }
0x41: {  	[tilespmem:$0x860] =	vst v0  }
0x42: {  	[tilespmem:$0x870] =	vst v0  }
0x43: {  	[tilespmem:$0x880] =	vst v0  }
0x44: {  	[tilespmem:$0xA10] =	vst v0  }
0x45: {  	[tilespmem:$0xA20] =	vst v0  }
0x46: {  	[tilespmem:$0xA30] =	vst v0  }
0x47: {  	v1 =	vimm.f32 $1.000000000e+00;
	[tilespmem:$0xA40] =	vst v0  }
0x48: {  	[tilespmem:$0xA50] =	vst v1  }
0x49: {  	s24 =	simm.s32 $0x1;
	[tilespmem:$0xA60] =	vst v1  }
0x4a: {  	_ =	swait.ge [sflag:s24], $0x4  }
0x4b: {  	[sflag:s24] =	ssyncset.done $0x0  }
0x4c: {  	[sflag:s24] =	ssyncadd.s32 $0xFFFFFFFC  }
0x4d: {  	_ =	swait.ge [sflag:s24], $0x17C  }
0x4e: {  	[sflag:s24] =	ssyncset.done $0x0  }
0x4f: {  	[sflag:s24] =	ssyncadd.s32 $0xFFFFFE84  }
0x50: {  	_ =	swait.ge [sflag:s24], $0x10  }
0x51: {  	[sflag:s24] =	ssyncset.done $0x0  }
0x52: {  	[sflag:s24] =	ssyncadd.s32 $0xFFFFFFF0  }
0x53: {  	_ =	swait.ge [sflag:s24], $0x17C  }
0x54: {  	[sflag:s24] =	ssyncset.done $0x0  }
0x55: {  	[sflag:s24] =	ssyncadd.s32 $0xFFFFFE84  }
0x56: {  	_ =	swait.ge [sflag:s24], $0x17C  }
0x57: {  	[sflag:s24] =	ssyncset.done $0x0  }
0x58: {  	[sflag:s24] =	ssyncadd.s32 $0xFFFFFE84  }
0x59: {  	_ =	swait.ge [sflag:s24], $0x4  }
0x5a: {  	[sflag:s24] =	ssyncset.done $0x0  }
0x5b: {  	[sflag:s24] =	ssyncadd.s32 $0xFFFFFFFC  }
0x5c: {  	_ =	swait.ge [sflag:s24], $0x2  }
0x5d: {  	[sflag:s24] =	ssyncset.done $0x0  }
0x5e: {  	[sflag:s24] =	ssyncadd.s32 $0xFFFFFFFE  }
0x5f: {  	_ =	swait.ge [sflag:s24], $0x10  }
0x60: {  	[sflag:s24] =	ssyncset.done $0x0  }
0x61: {  	[sflag:s24] =	ssyncadd.s32 $0xFFFFFFF0  }
0x62: {  	_ =	swait.ge [sflag:s24], $0x140  }
0x63: {  	[sflag:s24] =	ssyncset.done $0x0  }
0x64: {  	[sflag:s24] =	ssyncadd.s32 $0xFFFFFEC0  }
0x65: {  	v30 =	vld [tilespmem:$0x4A0];
	_ =	sdelay $0x2  }
0x66: {  	v2 =	vld [tilespmem:$0x0];
	_ =	sdelay $0x3  }
0x67: {  	s25 =	simm.s32 $0xA10  }
0x68: {  	[tilespmem:v30+s25+$0x0] =	vst.idx.msk $0xf, v2  }
0x69: {  	v1 =	vld [tilespmem:$0x4C0];
	_ =	sdelay $0x2  }
0x6a: {  	v2 =	vld [tilespmem:$0x190];
	_ =	sdelay $0x3  }
0x6b: {  	s26 =	simm.s32 $0xA30  }
0x6c: {  	[tilespmem:v1+s26+$0x0] =	vst.idx.msk $0xffff, v2  }
0x6d: {  	v1 =	vld [tilespmem:$0x4B0];
	_ =	sdelay $0x6  }
0x6e: {  	s28 =	simm.s32 $0xA50  }
0x6f: {  	[tilespmem:v1+s28+$0x0] =	vst.idx.msk $0x3, v0  }
0x70: {  	v0 =	vld [tilespmem:$0x1A0]  }
0x71: {  	v1 =	vld [tilespmem:$0x320];
	_ =	sdelay $0x3  }
0x72: {  	v0 =	vshll.u32 v0, $0x5  }
0x73: {  	v31 =	vld [tilespmem:$0x10];
	v0 =	vadd.s32 v1, v0;
	_ =	sdelay $0x3  }
0x74: {  	s29 =	simm.s32 $0x610  }
0x75: {  	[tilespmem:v0+s29+$0x0] =	vst.idx.msk $0xffff, v31  }
0x76: {  	v0 =	vld [tilespmem:$0x1B0]  }
0x77: {  	v1 =	vld [tilespmem:$0x330];
	_ =	sdelay $0x3  }
0x78: {  	v0 =	vshll.u32 v0, $0x5  }
0x79: {  	v32 =	vld [tilespmem:$0x20];
	v0 =	vadd.s32 v1, v0;
	_ =	sdelay $0x4  }
0x7a: {  	[tilespmem:v0+s29+$0x0] =	vst.idx.msk $0xffff, v32  }
0x7b: {  	v0 =	vld [tilespmem:$0x1C0]  }
0x7c: {  	v1 =	vld [tilespmem:$0x340];
	_ =	sdelay $0x3  }
0x7d: {  	v0 =	vshll.u32 v0, $0x5  }
0x7e: {  	v33 =	vld [tilespmem:$0x30];
	v0 =	vadd.s32 v1, v0;
	_ =	sdelay $0x4  }
0x7f: {  	[tilespmem:v0+s29+$0x0] =	vst.idx.msk $0xffff, v33  }
0x80: {  	v0 =	vld [tilespmem:$0x1D0]  }
0x81: {  	v1 =	vld [tilespmem:$0x350];
	_ =	sdelay $0x3  }
0x82: {  	v0 =	vshll.u32 v0, $0x5  }
0x83: {  	v34 =	vld [tilespmem:$0x40];
	v0 =	vadd.s32 v1, v0;
	_ =	sdelay $0x4  }
0x84: {  	[tilespmem:v0+s29+$0x0] =	vst.idx.msk $0xffff, v34  }
0x85: {  	v0 =	vld [tilespmem:$0x1E0]  }
0x86: {  	v1 =	vld [tilespmem:$0x360];
	_ =	sdelay $0x3  }
0x87: {  	v0 =	vshll.u32 v0, $0x5  }
0x88: {  	v35 =	vld [tilespmem:$0x50];
	v0 =	vadd.s32 v1, v0;
	_ =	sdelay $0x4  }
0x89: {  	[tilespmem:v0+s29+$0x0] =	vst.idx.msk $0xffff, v35  }
0x8a: {  	v0 =	vld [tilespmem:$0x1F0]  }
0x8b: {  	v1 =	vld [tilespmem:$0x370];
	_ =	sdelay $0x3  }
0x8c: {  	v0 =	vshll.u32 v0, $0x5  }
0x8d: {  	v36 =	vld [tilespmem:$0x60];
	v0 =	vadd.s32 v1, v0;
	_ =	sdelay $0x4  }
0x8e: {  	[tilespmem:v0+s29+$0x0] =	vst.idx.msk $0xffff, v36  }
0x8f: {  	v0 =	vld [tilespmem:$0x200]  }
0x90: {  	v1 =	vld [tilespmem:$0x380];
	_ =	sdelay $0x3  }
0x91: {  	v0 =	vshll.u32 v0, $0x5  }
0x92: {  	v37 =	vld [tilespmem:$0x70];
	v0 =	vadd.s32 v1, v0;
	_ =	sdelay $0x4  }
0x93: {  	[tilespmem:v0+s29+$0x0] =	vst.idx.msk $0xffff, v37  }
0x94: {  	v0 =	vld [tilespmem:$0x210]  }
0x95: {  	v1 =	vld [tilespmem:$0x390];
	_ =	sdelay $0x3  }
0x96: {  	v0 =	vshll.u32 v0, $0x5  }
0x97: {  	v38 =	vld [tilespmem:$0x80];
	v0 =	vadd.s32 v1, v0;
	_ =	sdelay $0x4  }
0x98: {  	[tilespmem:v0+s29+$0x0] =	vst.idx.msk $0xffff, v38  }
0x99: {  	v0 =	vld [tilespmem:$0x220]  }
0x9a: {  	v1 =	vld [tilespmem:$0x3A0];
	_ =	sdelay $0x3  }
0x9b: {  	v0 =	vshll.u32 v0, $0x5  }
0x9c: {  	v39 =	vld [tilespmem:$0x90];
	v0 =	vadd.s32 v1, v0;
	_ =	sdelay $0x4  }
0x9d: {  	[tilespmem:v0+s29+$0x0] =	vst.idx.msk $0xffff, v39  }
0x9e: {  	v0 =	vld [tilespmem:$0x230]  }
0x9f: {  	v1 =	vld [tilespmem:$0x3B0];
	_ =	sdelay $0x3  }
0xa0: {  	v0 =	vshll.u32 v0, $0x5  }
0xa1: {  	v40 =	vld [tilespmem:$0xA0];
	v0 =	vadd.s32 v1, v0;
	_ =	sdelay $0x4  }
0xa2: {  	[tilespmem:v0+s29+$0x0] =	vst.idx.msk $0xffff, v40  }
0xa3: {  	v0 =	vld [tilespmem:$0x240]  }
0xa4: {  	v1 =	vld [tilespmem:$0x3C0];
	_ =	sdelay $0x3  }
0xa5: {  	v0 =	vshll.u32 v0, $0x5  }
0xa6: {  	v41 =	vld [tilespmem:$0xB0];
	v0 =	vadd.s32 v1, v0;
	_ =	sdelay $0x4  }
0xa7: {  	[tilespmem:v0+s29+$0x0] =	vst.idx.msk $0xffff, v41  }
0xa8: {  	v0 =	vld [tilespmem:$0x250]  }
0xa9: {  	v1 =	vld [tilespmem:$0x3D0];
	_ =	sdelay $0x3  }
0xaa: {  	v0 =	vshll.u32 v0, $0x5  }
0xab: {  	v42 =	vld [tilespmem:$0xC0];
	v0 =	vadd.s32 v1, v0;
	_ =	sdelay $0x4  }
0xac: {  	[tilespmem:v0+s29+$0x0] =	vst.idx.msk $0xffff, v42  }
0xad: {  	v0 =	vld [tilespmem:$0x260]  }
0xae: {  	v1 =	vld [tilespmem:$0x3E0];
	_ =	sdelay $0x3  }
0xaf: {  	v0 =	vshll.u32 v0, $0x5  }
0xb0: {  	v43 =	vld [tilespmem:$0xD0];
	v0 =	vadd.s32 v1, v0;
	_ =	sdelay $0x4  }
0xb1: {  	[tilespmem:v0+s29+$0x0] =	vst.idx.msk $0xffff, v43  }
0xb2: {  	v0 =	vld [tilespmem:$0x270]  }
0xb3: {  	v1 =	vld [tilespmem:$0x3F0];
	_ =	sdelay $0x3  }
0xb4: {  	v0 =	vshll.u32 v0, $0x5  }
0xb5: {  	v44 =	vld [tilespmem:$0xE0];
	v0 =	vadd.s32 v1, v0;
	_ =	sdelay $0x4  }
0xb6: {  	[tilespmem:v0+s29+$0x0] =	vst.idx.msk $0xffff, v44  }
0xb7: {  	v0 =	vld [tilespmem:$0x280]  }
0xb8: {  	v1 =	vld [tilespmem:$0x400];
	_ =	sdelay $0x3  }
0xb9: {  	v0 =	vshll.u32 v0, $0x5  }
0xba: {  	v45 =	vld [tilespmem:$0xF0];
	v0 =	vadd.s32 v1, v0;
	_ =	sdelay $0x4  }
0xbb: {  	[tilespmem:v0+s29+$0x0] =	vst.idx.msk $0xffff, v45  }
0xbc: {  	v0 =	vld [tilespmem:$0x290]  }
0xbd: {  	v1 =	vld [tilespmem:$0x410];
	_ =	sdelay $0x3  }
0xbe: {  	v0 =	vshll.u32 v0, $0x5  }
0xbf: {  	v46 =	vld [tilespmem:$0x100];
	v0 =	vadd.s32 v1, v0;
	_ =	sdelay $0x4  }
0xc0: {  	[tilespmem:v0+s29+$0x0] =	vst.idx.msk $0xffff, v46  }
0xc1: {  	v0 =	vld [tilespmem:$0x2A0]  }
0xc2: {  	v1 =	vld [tilespmem:$0x420];
	_ =	sdelay $0x3  }
0xc3: {  	v0 =	vshll.u32 v0, $0x5  }
0xc4: {  	v47 =	vld [tilespmem:$0x110];
	v0 =	vadd.s32 v1, v0;
	_ =	sdelay $0x4  }
0xc5: {  	[tilespmem:v0+s29+$0x0] =	vst.idx.msk $0xffff, v47  }
0xc6: {  	v0 =	vld [tilespmem:$0x2B0]  }
0xc7: {  	v1 =	vld [tilespmem:$0x430];
	_ =	sdelay $0x3  }
0xc8: {  	v0 =	vshll.u32 v0, $0x5  }
0xc9: {  	v48 =	vld [tilespmem:$0x120];
	v0 =	vadd.s32 v1, v0;
	_ =	sdelay $0x4  }
0xca: {  	[tilespmem:v0+s29+$0x0] =	vst.idx.msk $0xffff, v48  }
0xcb: {  	v0 =	vld [tilespmem:$0x2C0]  }
0xcc: {  	v1 =	vld [tilespmem:$0x440];
	_ =	sdelay $0x3  }
0xcd: {  	v0 =	vshll.u32 v0, $0x5  }
0xce: {  	v49 =	vld [tilespmem:$0x130];
	v0 =	vadd.s32 v1, v0;
	_ =	sdelay $0x4  }
0xcf: {  	[tilespmem:v0+s29+$0x0] =	vst.idx.msk $0xffff, v49  }
0xd0: {  	v0 =	vld [tilespmem:$0x2D0]  }
0xd1: {  	v1 =	vld [tilespmem:$0x450];
	_ =	sdelay $0x3  }
0xd2: {  	v0 =	vshll.u32 v0, $0x5  }
0xd3: {  	v50 =	vld [tilespmem:$0x140];
	v0 =	vadd.s32 v1, v0;
	_ =	sdelay $0x4  }
0xd4: {  	[tilespmem:v0+s29+$0x0] =	vst.idx.msk $0xffff, v50  }
0xd5: {  	v0 =	vld [tilespmem:$0x2E0]  }
0xd6: {  	v1 =	vld [tilespmem:$0x460];
	_ =	sdelay $0x3  }
0xd7: {  	v0 =	vshll.u32 v0, $0x5  }
0xd8: {  	v51 =	vld [tilespmem:$0x150];
	v0 =	vadd.s32 v1, v0;
	_ =	sdelay $0x4  }
0xd9: {  	[tilespmem:v0+s29+$0x0] =	vst.idx.msk $0xffff, v51  }
0xda: {  	v0 =	vld [tilespmem:$0x2F0]  }
0xdb: {  	v1 =	vld [tilespmem:$0x470];
	_ =	sdelay $0x3  }
0xdc: {  	v0 =	vshll.u32 v0, $0x5  }
0xdd: {  	v52 =	vld [tilespmem:$0x160];
	v0 =	vadd.s32 v1, v0;
	_ =	sdelay $0x4  }
0xde: {  	[tilespmem:v0+s29+$0x0] =	vst.idx.msk $0xffff, v52  }
0xdf: {  	v0 =	vld [tilespmem:$0x300]  }
0xe0: {  	v1 =	vld [tilespmem:$0x480];
	_ =	sdelay $0x3  }
0xe1: {  	v0 =	vshll.u32 v0, $0x5  }
0xe2: {  	v53 =	vld [tilespmem:$0x170];
	v0 =	vadd.s32 v1, v0;
	_ =	sdelay $0x4  }
0xe3: {  	[tilespmem:v0+s29+$0x0] =	vst.idx.msk $0xffff, v53  }
0xe4: {  	v0 =	vld [tilespmem:$0x310]  }
0xe5: {  	v1 =	vld [tilespmem:$0x490];
	_ =	sdelay $0x3  }
0xe6: {  	v0 =	vshll.u32 v0, $0x5  }
0xe7: {  	v54 =	vld [tilespmem:$0x180];
	v0 =	vadd.s32 v1, v0;
	_ =	sdelay $0x4  }
0xe8: {  	[tilespmem:v0+s29+$0x0] =	vst.idx.msk $0xfff, v54  }
0xe9: {  	v2 =	vld [tilespmem:$0x4D0]  }
0xea: {  	v3 =	vld [tilespmem:$0x4E0]  }
0xeb: {  	v1 =	vld [tilespmem:$0xA30]  }
0xec: {  	v0 =	vld [tilespmem:$0xA40]  }
0xed: {  	v4 =	vld [tilespmem:$0x4F0]  }
0xee: {  	v5 =	vld [tilespmem:$0x610]  }
0xef: {  	v6 =	vld [tilespmem:$0x620]  }
0xf0: {  	v7 =	vld [tilespmem:$0x500]  }
0xf1: {  	v8 =	vld [tilespmem:$0x630]  }
0xf2: {  	v9 =	vld [tilespmem:$0x640]  }
0xf3: {  	v10 =	vld [tilespmem:$0x510]  }
0xf4: {  	v11 =	vld [tilespmem:$0x650]  }
0xf5: {  	v12 =	vld [tilespmem:$0x660]  }
0xf6: {  	v13 =	vld [tilespmem:$0x520]  }
0xf7: {  	v14 =	vld [tilespmem:$0x670]  }
0xf8: {  	v15 =	vld [tilespmem:$0x680]  }
0xf9: {  	v16 =	vld [tilespmem:$0x530]  }
0xfa: {  	v17 =	vld [tilespmem:$0x690]  }
0xfb: {  	v18 =	vld [tilespmem:$0x6A0]  }
0xfc: {  	v19 =	vld [tilespmem:$0x540]  }
0xfd: {  	v20 =	vld [tilespmem:$0x6B0]  }
0xfe: {  	v21 =	vld [tilespmem:$0x6C0]  }
0xff: {  	v22 =	vld [tilespmem:$0x550]  }
0x100: {  	v23 =	vld [tilespmem:$0x6D0]  }
0x101: {  	v24 =	vld [tilespmem:$0x6E0]  }
0x102: {  	v25 =	vld [tilespmem:$0x560]  }
0x103: {  	v26 =	vld [tilespmem:$0x6F0]  }
0x104: {  	v27 =	vld [tilespmem:$0x700]  }
0x105: {  	v28 =	vld [tilespmem:$0x570]  }
0x106: {  	v29 =	vld [tilespmem:$0x710]  }
0x107: {  	v30 =	vld [tilespmem:$0x720]  }
0x108: {  	v31 =	vld [tilespmem:$0x580]  }
0x109: {  	v32 =	vld [tilespmem:$0x730]  }
0x10a: {  	v33 =	vld [tilespmem:$0x740]  }
0x10b: {  	v56 =	vld [tilespmem:$0x590]  }
0x10c: {  	v34 =	vld [tilespmem:$0x750]  }
0x10d: {  	v2 =	vld.idx.msk [tilespmem:v2+s25+$0x0], $0xffff  }
0x10e: {  	v59 =	vld [tilespmem:$0x5A0]  }
0x10f: {  	v3 =	vld.idx.msk [tilespmem:v3+s25+$0x0], $0xffff  }
0x110: {  	v35 =	vld [tilespmem:$0x770]  }
0x111: {  	v4 =	vld.idx.msk [tilespmem:v4+s25+$0x0], $0xffff  }
0x112: {  	v36 =	vld [tilespmem:$0x5B0];
	v5 =	vmul.f32 v5, v2  }
0x113: {  	v7 =	vld.idx.msk [tilespmem:v7+s25+$0x0], $0xffff  }
0x114: {  	v62 =	vld [tilespmem:$0x790];
	v8 =	vmul.f32 v8, v3;
	v5 =	vadd.f32 v5, v1  }
0x115: {  	v10 =	vld.idx.msk [tilespmem:v10+s25+$0x0], $0xffff  }
0x116: {  	v39 =	vld [tilespmem:$0x7B0];
	v55 =	vmul.f32 v11, v4;
	v5 =	vadd.f32 v8, v5  }
0x117: {  	v13 =	vld.idx.msk [tilespmem:v13+s25+$0x0], $0xffff  }
0x118: {  	v41 =	vld [tilespmem:$0x5D0];
	v57 =	vmul.f32 v14, v7;
	v5 =	vadd.f32 v55, v5  }
0x119: {  	v16 =	vld.idx.msk [tilespmem:v16+s25+$0x0], $0xffff  }
0x11a: {  	v45 =	vld [tilespmem:$0x5E0];
	v58 =	vmul.f32 v17, v10;
	v5 =	vadd.f32 v57, v5  }
0x11b: {  	v19 =	vld.idx.msk [tilespmem:v19+s25+$0x0], $0xffff  }
0x11c: {  	v47 =	vld [tilespmem:$0x7D0];
	v60 =	vmul.f32 v20, v13;
	v5 =	vadd.f32 v58, v5  }
0x11d: {  	v22 =	vld.idx.msk [tilespmem:v22+s25+$0x0], $0xffff  }
0x11e: {  	v49 =	vld [tilespmem:$0x5F0];
	v61 =	vmul.f32 v23, v16;
	v5 =	vadd.f32 v60, v5  }
0x11f: {  	v25 =	vld.idx.msk [tilespmem:v25+s25+$0x0], $0xffff;
	v2 =	vmul.f32 v6, v2  }
0x120: {  	v51 =	vld [tilespmem:$0x600];
	v63 =	vmul.f32 v26, v19;
	v5 =	vadd.f32 v61, v5  }
0x121: {  	v28 =	vld.idx.msk [tilespmem:v28+s25+$0x0], $0xffff;
	v3 =	vmul.f32 v9, v3;
	v2 =	vadd.f32 v2, v0  }
0x122: {  	v31 =	vld.idx.msk [tilespmem:v31+s25+$0x0], $0xffff;
	v37 =	vmul.f32 v29, v22;
	v5 =	vadd.f32 v63, v5  }
0x123: {  	v26 =	vld [tilespmem:$0x5C0];
	v38 =	vmul.f32 v12, v4;
	v2 =	vadd.f32 v3, v2  }
0x124: {  	v53 =	vld [tilespmem:$0x7F0];
	v40 =	vmul.f32 v32, v25;
	v5 =	vadd.f32 v37, v5  }
0x125: {  	v11 =	vld.idx.msk [tilespmem:v56+s25+$0x0], $0xffff;
	v42 =	vmul.f32 v15, v7;
	v2 =	vadd.f32 v38, v2  }
0x126: {  	v43 =	vld.idx.msk [tilespmem:v36+s25+$0x0], $0xffff;
	v44 =	vmul.f32 v34, v28;
	v5 =	vadd.f32 v40, v5  }
0x127: {  	v17 =	vld.idx.msk [tilespmem:v59+s25+$0x0], $0xffff;
	v46 =	vmul.f32 v18, v10;
	v2 =	vadd.f32 v42, v2  }
0x128: {  	v54 =	vld.idx.msk [tilespmem:v41+s25+$0x0], $0xffff;
	v48 =	vmul.f32 v35, v31;
	v5 =	vadd.f32 v44, v5  }
0x129: {  	v14 =	vld [tilespmem:$0x760];
	v50 =	vmul.f32 v21, v13;
	v2 =	vadd.f32 v46, v2  }
0x12a: {  	v20 =	vld [tilespmem:$0x780];
	v6 =	vmul.f32 v62, v11;
	v5 =	vadd.f32 v48, v5  }
0x12b: {  	v52 =	vmul.f32 v24, v16;
	v9 =	vld.idx.msk [tilespmem:v26+s25+$0x0], $0xffff;
	v2 =	vadd.f32 v50, v2  }
0x12c: {  	v23 =	vld [tilespmem:$0x7A0];
	v4 =	vmul.f32 v39, v17;
	v5 =	vadd.f32 v6, v5  }
0x12d: {  	v56 =	vld [tilespmem:$0x810];
	v55 =	vmul.f32 v27, v19;
	v2 =	vadd.f32 v52, v2  }
0x12e: {  	v57 =	vmul.f32 v47, v43;
	v58 =	vld.idx.msk [tilespmem:v45+s25+$0x0], $0xffff;
	v4 =	vadd.f32 v4, v5  }
0x12f: {  	v59 =	vmul.f32 v30, v22;
	v60 =	vld [tilespmem:$0x830];
	v2 =	vadd.f32 v55, v2  }
0x130: {  	v21 =	vld [tilespmem:$0x850];
	v61 =	vmul.f32 v53, v9;
	v4 =	vadd.f32 v57, v4  }
0x131: {  	v62 =	vld.idx.msk [tilespmem:v49+s25+$0x0], $0xffff;
	v63 =	vmul.f32 v33, v25;
	v2 =	vadd.f32 v59, v2  }
0x132: {  	v8 =	vld.idx.msk [tilespmem:v51+s25+$0x0], $0xffff;
	v22 =	vmul.f32 v56, v54;
	v4 =	vadd.f32 v61, v4  }
0x133: {  	v24 =	vmul.f32 v14, v28;
	v25 =	vld [tilespmem:$0x870];
	v2 =	vadd.f32 v63, v2  }
0x134: {  	v26 =	vld [tilespmem:$0x7C0];
	v27 =	vmul.f32 v60, v58;
	v4 =	vadd.f32 v22, v4  }
0x135: {  	v28 =	vmul.f32 v20, v31;
	v2 =	vadd.f32 v24, v2  }
0x136: {  	v29 =	vld [tilespmem:$0x7E0];
	v30 =	vmul.f32 v21, v62;
	v4 =	vadd.f32 v27, v4  }
0x137: {  	v31 =	vmul.f32 v23, v11;
	v2 =	vadd.f32 v28, v2  }
0x138: {  	v32 =	vld [tilespmem:$0x800];
	v33 =	vmul.f32 v25, v8;
	v4 =	vadd.f32 v30, v4  }
0x139: {  	v34 =	vmul.f32 v26, v17;
	v2 =	vadd.f32 v31, v2  }
0x13a: {  	v35 =	vld [tilespmem:$0x820];
	v4 =	vadd.f32 v33, v4  }
0x13b: {  	v36 =	vmul.f32 v29, v43;
	v2 =	vadd.f32 v34, v2  }
0x13c: {  	v37 =	vld [tilespmem:$0x840];
	v38 =	vmul.f32 $-2.000000000e+00, v4  }
0x13d: {  	v39 =	vmul.f32 v32, v9;
	v2 =	vadd.f32 v36, v2  }
0x13e: {  	v40 =	vld [tilespmem:$0x860];
	v7 =	vmul.f32 $1.442695020e+00, v38  }
0x13f: {  	v41 =	vmul.f32 v35, v54;
	v2 =	vadd.f32 v39, v2  }
0x140: {  	v42 =	vld [tilespmem:$0x880];
	(erf) = vpow2.f32 v7  }
0x141: {  	v43 =	vmul.f32 v37, v58;
	v2 =	vadd.f32 v41, v2;
	_ =	sdelay $0x1  }
0x142: {  	v44 =	vmul.f32 v40, v62;
	v2 =	vadd.f32 v43, v2;
	_ =	sdelay $0x1  }
0x143: {  	v45 =	vmul.f32 v42, v8;
	v2 =	vadd.f32 v44, v2;
	_ =	sdelay $0x1  }
0x144: {  	v46 =	vadd.f32 v45, v2;
	_ =	sdelay $0x1  }
0x145: {  	v3 =	vmul.f32 $-2.000000000e+00, v46;
	v47 =	vpop (erf)  }
0x146: {  	v16 =	vld [tilespmem:$0x760];
	v2 =	vadd.f32 $1.000000000e+00, v47  }
0x147: {  	v51 =	vld [tilespmem:$0x4E0];
	v3 =	vmul.f32 $1.442695020e+00, v3  }
0x148: {  	v54 =	vld [tilespmem:$0x500];
	(erf) = vrcp.f32 v2  }
0x149: {  	v11 =	vld [tilespmem:$0x640];
	(erf) = vpow2.f32 v3  }
0x14a: {  	v56 =	vld [tilespmem:$0x510]  }
0x14b: {  	v14 =	vld [tilespmem:$0x660]  }
0x14c: {  	v20 =	vld [tilespmem:$0x6A0]  }
0x14d: {  	v23 =	vld [tilespmem:$0x6C0]  }
0x14e: {  	v29 =	vld [tilespmem:$0x700]  }
0x14f: {  	v35 =	vld [tilespmem:$0x740]  }
0x150: {  	v50 =	vld [tilespmem:$0x4D0]  }
0x151: {  	v17 =	vld [tilespmem:$0x680];
	v2 =	vpop (erf)  }
0x152: {  	v42 =	vld [tilespmem:$0x560];
	v3 =	vpop (erf)  }
0x153: {  	v32 =	vld [tilespmem:$0x720];
	v3 =	vadd.f32 $1.000000000e+00, v3  }
0x154: {  	v52 =	vld [tilespmem:$0x4F0]  }
0x155: {  	v53 =	vld [tilespmem:$0x610];
	(erf) = vrcp.f32 v3  }
0x156: {  	v55 =	vld [tilespmem:$0x630]  }
0x157: {  	v60 =	vld [tilespmem:$0x530]  }
0x158: {  	v59 =	vld [tilespmem:$0x670]  }
0x159: {  	v63 =	vld [tilespmem:$0x6B0]  }
0x15a: {  	v8 =	vld [tilespmem:$0x620]  }
0x15b: {  	v25 =	vld [tilespmem:$0x7A0]  }
0x15c: {  	v58 =	vld [tilespmem:$0x520]  }
0x15d: {  	v37 =	vld [tilespmem:$0x770]  }
0x15e: {  	v62 =	vld [tilespmem:$0x540];
	v48 =	vadd.f32 v2, v2;
	v3 =	vpop (erf)  }
0x15f: {  	v2 =	vld [tilespmem:$0xA50];
	v49 =	vadd.f32 v3, v3  }
0x160: {  	v6 =	vadd.f32 $-1.000000000e+00, v48;
	v3 =	vld [tilespmem:$0xA60]  }
0x161: {  	v40 =	vld [tilespmem:$0x6D0];
	v7 =	vadd.f32 $-1.000000000e+00, v49  }
0x162: {  	v31 =	vld [tilespmem:$0x5E0];
	v6 =	vsub.f32 v6, v4  }
0x163: {  	v57 =	vld [tilespmem:$0x650];
	v7 =	vsub.f32 v7, v46  }
0x164: {  	v36 =	vld [tilespmem:$0x7D0];
	v6 =	vmul.f32 v6, v2  }
0x165: {  	v61 =	vld [tilespmem:$0x690];
	v7 =	vmul.f32 v7, v3  }
0x166: {  	v39 =	vld [tilespmem:$0x550];
	v4 =	vadd.f32 v6, v4  }
0x167: {  	v41 =	vld [tilespmem:$0x6E0];
	v5 =	vadd.f32 v7, v46  }
0x168: {  	v22 =	vld [tilespmem:$0x780];
	[tilespmem:$0xA10] =	vst v4  }
0x169: {  	v43 =	vld [tilespmem:$0x6F0];
	[tilespmem:$0xA20] =	vst v5  }
0x16a: {  	v5 =	vld.idx.msk [tilespmem:v50+s25+$0x0], $0xffff  }
0x16b: {  	v44 =	vld [tilespmem:$0x570]  }
0x16c: {  	v6 =	vld.idx.msk [tilespmem:v51+s25+$0x0], $0xffff  }
0x16d: {  	v45 =	vld [tilespmem:$0x710]  }
0x16e: {  	v4 =	vld.idx.msk [tilespmem:v52+s25+$0x0], $0xffff  }
0x16f: {  	v38 =	vld [tilespmem:$0x5B0];
	v7 =	vmul.f32 v53, v5  }
0x170: {  	v9 =	vld.idx.msk [tilespmem:v54+s25+$0x0], $0xffff  }
0x171: {  	v47 =	vld [tilespmem:$0x730];
	v10 =	vmul.f32 v55, v6;
	v7 =	vadd.f32 v7, v1  }
0x172: {  	v12 =	vld.idx.msk [tilespmem:v56+s25+$0x0], $0xffff  }
0x173: {  	v49 =	vld [tilespmem:$0x590];
	v48 =	vmul.f32 v57, v4;
	v7 =	vadd.f32 v10, v7  }
0x174: {  	v15 =	vld.idx.msk [tilespmem:v58+s25+$0x0], $0xffff  }
0x175: {  	v46 =	vld [tilespmem:$0x580];
	v51 =	vmul.f32 v59, v9;
	v7 =	vadd.f32 v48, v7  }
0x176: {  	v18 =	vld.idx.msk [tilespmem:v60+s25+$0x0], $0xffff  }
0x177: {  	v21 =	vld.idx.msk [tilespmem:v62+s25+$0x0], $0xffff;
	v52 =	vmul.f32 v61, v12;
	v7 =	vadd.f32 v51, v7  }
0x178: {  	v24 =	vld.idx.msk [tilespmem:v39+s25+$0x0], $0xffff  }
0x179: {  	v27 =	vld.idx.msk [tilespmem:v42+s25+$0x0], $0xffff;
	v54 =	vmul.f32 v63, v15;
	v7 =	vadd.f32 v52, v7  }
0x17a: {  	v30 =	vld.idx.msk [tilespmem:v44+s25+$0x0], $0xffff  }
0x17b: {  	v50 =	vld [tilespmem:$0x750];
	v55 =	vmul.f32 v40, v18;
	v7 =	vadd.f32 v54, v7  }
0x17c: {  	v53 =	vld [tilespmem:$0x5A0];
	v5 =	vmul.f32 v8, v5  }
0x17d: {  	v13 =	vld.idx.msk [tilespmem:v49+s25+$0x0], $0xffff;
	v57 =	vmul.f32 v43, v21;
	v7 =	vadd.f32 v55, v7  }
0x17e: {  	v56 =	vld [tilespmem:$0x790];
	v6 =	vmul.f32 v11, v6;
	v5 =	vadd.f32 v5, v0  }
0x17f: {  	v58 =	vld [tilespmem:$0x5C0];
	v59 =	vmul.f32 v45, v24;
	v7 =	vadd.f32 v57, v7  }
0x180: {  	v33 =	vld.idx.msk [tilespmem:v46+s25+$0x0], $0xffff;
	v4 =	vmul.f32 v14, v4;
	v5 =	vadd.f32 v6, v5  }
0x181: {  	v60 =	vld [tilespmem:$0x7B0];
	v61 =	vmul.f32 v47, v27;
	v7 =	vadd.f32 v59, v7  }
0x182: {  	v62 =	vld [tilespmem:$0x5D0];
	v63 =	vmul.f32 v17, v9;
	v4 =	vadd.f32 v4, v5  }
0x183: {  	v9 =	vld.idx.msk [tilespmem:v38+s25+$0x0], $0xffff;
	v28 =	vmul.f32 v50, v30;
	v7 =	vadd.f32 v61, v7  }
0x184: {  	v34 =	vmul.f32 v20, v12;
	v19 =	vld.idx.msk [tilespmem:v53+s25+$0x0], $0xffff;
	v4 =	vadd.f32 v63, v4  }
0x185: {  	v38 =	vld [tilespmem:$0x5F0];
	v37 =	vmul.f32 v37, v33;
	v7 =	vadd.f32 v28, v7  }
0x186: {  	v42 =	vld [tilespmem:$0x7F0];
	v39 =	vmul.f32 v23, v15;
	v4 =	vadd.f32 v34, v4  }
0x187: {  	v8 =	vmul.f32 v56, v13;
	v40 =	vld [tilespmem:$0x600];
	v7 =	vadd.f32 v37, v7  }
0x188: {  	v41 =	vmul.f32 v41, v18;
	v11 =	vld.idx.msk [tilespmem:v58+s25+$0x0], $0xffff;
	v4 =	vadd.f32 v39, v4  }
0x189: {  	v45 =	vld [tilespmem:$0x810];
	v6 =	vmul.f32 v60, v19;
	v7 =	vadd.f32 v8, v7  }
0x18a: {  	v44 =	vmul.f32 v29, v21;
	v43 =	vld.idx.msk [tilespmem:v62+s25+$0x0], $0xffff;
	v4 =	vadd.f32 v41, v4  }
0x18b: {  	v49 =	vld [tilespmem:$0x830];
	v46 =	vmul.f32 v36, v9;
	v6 =	vadd.f32 v6, v7  }
0x18c: {  	v47 =	vld.idx.msk [tilespmem:v31+s25+$0x0], $0xffff;
	v48 =	vmul.f32 v32, v24;
	v4 =	vadd.f32 v44, v4  }
0x18d: {  	v50 =	vmul.f32 v42, v11;
	v51 =	vld.idx.msk [tilespmem:v38+s25+$0x0], $0xffff;
	v6 =	vadd.f32 v46, v6  }
0x18e: {  	v53 =	vld [tilespmem:$0x850];
	v52 =	vmul.f32 v35, v27;
	v4 =	vadd.f32 v48, v4  }
0x18f: {  	v56 =	vld [tilespmem:$0x870];
	v54 =	vmul.f32 v45, v43;
	v6 =	vadd.f32 v50, v6  }
0x190: {  	v10 =	vld.idx.msk [tilespmem:v40+s25+$0x0], $0xffff;
	v55 =	vmul.f32 v16, v30;
	v4 =	vadd.f32 v52, v4  }
0x191: {  	v58 =	vmul.f32 v49, v47;
	v57 =	vld [tilespmem:$0x7C0];
	v6 =	vadd.f32 v54, v6  }
0x192: {  	v59 =	vmul.f32 v22, v33;
	v4 =	vadd.f32 v55, v4  }
0x193: {  	v60 =	vld [tilespmem:$0x7E0];
	v61 =	vmul.f32 v53, v51;
	v6 =	vadd.f32 v58, v6  }
0x194: {  	v62 =	vmul.f32 v25, v13;
	v4 =	vadd.f32 v59, v4  }
0x195: {  	v63 =	vld [tilespmem:$0x800];
	v18 =	vmul.f32 v56, v10;
	v6 =	vadd.f32 v61, v6  }
0x196: {  	v20 =	vmul.f32 v57, v19;
	v4 =	vadd.f32 v62, v4  }
0x197: {  	v21 =	vld [tilespmem:$0x820];
	v6 =	vadd.f32 v18, v6  }
0x198: {  	v22 =	vmul.f32 v60, v9;
	v4 =	vadd.f32 v20, v4  }
0x199: {  	v23 =	vld [tilespmem:$0x840];
	v24 =	vmul.f32 $-2.000000000e+00, v6  }
0x19a: {  	v25 =	vmul.f32 v63, v11;
	v4 =	vadd.f32 v22, v4  }
0x19b: {  	v26 =	vld [tilespmem:$0x860];
	v9 =	vmul.f32 $1.442695020e+00, v24  }
0x19c: {  	v27 =	vmul.f32 v21, v43;
	v4 =	vadd.f32 v25, v4  }
0x19d: {  	v28 =	vld [tilespmem:$0x880];
	(erf) = vpow2.f32 v9  }
0x19e: {  	v29 =	vmul.f32 v23, v47;
	v4 =	vadd.f32 v27, v4;
	_ =	sdelay $0x1  }
0x19f: {  	v30 =	vmul.f32 v26, v51;
	v4 =	vadd.f32 v29, v4;
	_ =	sdelay $0x1  }
0x1a0: {  	v31 =	vmul.f32 v28, v10;
	v4 =	vadd.f32 v30, v4;
	_ =	sdelay $0x1  }
0x1a1: {  	v4 =	vadd.f32 v31, v4;
	_ =	sdelay $0x1  }
0x1a2: {  	v33 =	vmul.f32 $-2.000000000e+00, v4;
	v32 =	vpop (erf)  }
0x1a3: {  	v5 =	vadd.f32 $1.000000000e+00, v32  }
0x1a4: {  	v7 =	vmul.f32 $1.442695020e+00, v33  }
0x1a5: {  	v14 =	vld [tilespmem:$0x660];
	(erf) = vrcp.f32 v5  }
0x1a6: {  	v17 =	vld [tilespmem:$0x680];
	(erf) = vpow2.f32 v7  }
0x1a7: {  	v36 =	vld [tilespmem:$0x4F0]  }
0x1a8: {  	v47 =	vld [tilespmem:$0x6B0]  }
0x1a9: {  	v23 =	vld [tilespmem:$0x6C0]  }
0x1aa: {  	v49 =	vld [tilespmem:$0x6D0]  }
0x1ab: {  	v38 =	vld [tilespmem:$0x500]  }
0x1ac: {  	v40 =	vld [tilespmem:$0x510]  }
0x1ad: {  	v42 =	vld [tilespmem:$0x520]  }
0x1ae: {  	v34 =	vld [tilespmem:$0x4D0];
	v5 =	vpop (erf)  }
0x1af: {  	v35 =	vld [tilespmem:$0x4E0];
	v7 =	vpop (erf)  }
0x1b0: {  	v39 =	vld [tilespmem:$0x630];
	v7 =	vadd.f32 $1.000000000e+00, v7  }
0x1b1: {  	v43 =	vld [tilespmem:$0x670]  }
0x1b2: {  	v45 =	vld [tilespmem:$0x690];
	(erf) = vrcp.f32 v7  }
0x1b3: {  	v11 =	vld [tilespmem:$0x640]  }
0x1b4: {  	v63 =	vld [tilespmem:$0x770]  }
0x1b5: {  	v41 =	vld [tilespmem:$0x650]  }
0x1b6: {  	v26 =	vld [tilespmem:$0x6E0]  }
0x1b7: {  	v16 =	vld [tilespmem:$0x760]  }
0x1b8: {  	v44 =	vld [tilespmem:$0x530]  }
0x1b9: {  	v48 =	vld [tilespmem:$0x550]  }
0x1ba: {  	v51 =	vld [tilespmem:$0x6F0]  }
0x1bb: {  	v52 =	vld [tilespmem:$0x570];
	v5 =	vadd.f32 v5, v5;
	v7 =	vpop (erf)  }
0x1bc: {  	v53 =	vld [tilespmem:$0x710];
	v7 =	vadd.f32 v7, v7  }
0x1bd: {  	v55 =	vld [tilespmem:$0x730];
	v5 =	vadd.f32 $-1.000000000e+00, v5  }
0x1be: {  	v37 =	vld [tilespmem:$0x610];
	v7 =	vadd.f32 $-1.000000000e+00, v7  }
0x1bf: {  	v59 =	vld [tilespmem:$0x750];
	v5 =	vsub.f32 v5, v6  }
0x1c0: {  	v8 =	vld [tilespmem:$0x620];
	v7 =	vsub.f32 v7, v4  }
0x1c1: {  	v62 =	vld [tilespmem:$0x5A0];
	v5 =	vmul.f32 v5, v2  }
0x1c2: {  	v10 =	vld [tilespmem:$0x740];
	v7 =	vmul.f32 v7, v3  }
0x1c3: {  	v20 =	vld [tilespmem:$0x6A0];
	v5 =	vadd.f32 v5, v6  }
0x1c4: {  	v46 =	vld [tilespmem:$0x540];
	v4 =	vadd.f32 v7, v4  }
0x1c5: {  	v22 =	vld [tilespmem:$0x780];
	[tilespmem:$0xA10] =	vst v5  }
0x1c6: {  	v50 =	vld [tilespmem:$0x560];
	[tilespmem:$0xA20] =	vst v4  }
0x1c7: {  	v5 =	vld.idx.msk [tilespmem:v34+s25+$0x0], $0xffff  }
0x1c8: {  	v25 =	vld [tilespmem:$0x7A0]  }
0x1c9: {  	v6 =	vld.idx.msk [tilespmem:v35+s25+$0x0], $0xffff  }
0x1ca: {  	v54 =	vld [tilespmem:$0x580]  }
0x1cb: {  	v4 =	vld.idx.msk [tilespmem:v36+s25+$0x0], $0xffff  }
0x1cc: {  	v29 =	vld [tilespmem:$0x700];
	v7 =	vmul.f32 v37, v5  }
0x1cd: {  	v9 =	vld.idx.msk [tilespmem:v38+s25+$0x0], $0xffff  }
0x1ce: {  	v58 =	vld [tilespmem:$0x590];
	v56 =	vmul.f32 v39, v6;
	v1 =	vadd.f32 v7, v1  }
0x1cf: {  	v12 =	vld.idx.msk [tilespmem:v40+s25+$0x0], $0xffff  }
0x1d0: {  	v32 =	vld [tilespmem:$0x720];
	v57 =	vmul.f32 v41, v4;
	v1 =	vadd.f32 v56, v1  }
0x1d1: {  	v15 =	vld.idx.msk [tilespmem:v42+s25+$0x0], $0xffff  }
0x1d2: {  	v18 =	vld.idx.msk [tilespmem:v44+s25+$0x0], $0xffff;
	v60 =	vmul.f32 v43, v9;
	v1 =	vadd.f32 v57, v1  }
0x1d3: {  	v21 =	vld.idx.msk [tilespmem:v46+s25+$0x0], $0xffff  }
0x1d4: {  	v24 =	vld.idx.msk [tilespmem:v48+s25+$0x0], $0xffff;
	v61 =	vmul.f32 v45, v12;
	v1 =	vadd.f32 v60, v1  }
0x1d5: {  	v27 =	vld.idx.msk [tilespmem:v50+s25+$0x0], $0xffff  }
0x1d6: {  	v30 =	vld.idx.msk [tilespmem:v52+s25+$0x0], $0xffff;
	v40 =	vmul.f32 v47, v15;
	v1 =	vadd.f32 v61, v1  }
0x1d7: {  	v33 =	vld.idx.msk [tilespmem:v54+s25+$0x0], $0xffff  }
0x1d8: {  	v13 =	vld.idx.msk [tilespmem:v58+s25+$0x0], $0xffff;
	v42 =	vmul.f32 v49, v18;
	v1 =	vadd.f32 v40, v1  }
0x1d9: {  	v46 =	vld [tilespmem:$0x5C0];
	v5 =	vmul.f32 v8, v5  }
0x1da: {  	v48 =	vld [tilespmem:$0x7B0];
	v44 =	vmul.f32 v51, v21;
	v1 =	vadd.f32 v42, v1  }
0x1db: {  	v41 =	vld [tilespmem:$0x5B0];
	v45 =	vmul.f32 v11, v6;
	v0 =	vadd.f32 v5, v0  }
0x1dc: {  	v50 =	vld [tilespmem:$0x5D0];
	v47 =	vmul.f32 v53, v24;
	v1 =	vadd.f32 v44, v1  }
0x1dd: {  	v54 =	vld [tilespmem:$0x5E0];
	v4 =	vmul.f32 v14, v4;
	v0 =	vadd.f32 v45, v0  }
0x1de: {  	v58 =	vld [tilespmem:$0x5F0];
	v49 =	vmul.f32 v55, v27;
	v1 =	vadd.f32 v47, v1  }
0x1df: {  	v43 =	vld [tilespmem:$0x790];
	v51 =	vmul.f32 v17, v9;
	v0 =	vadd.f32 v4, v0  }
0x1e0: {  	v11 =	vld.idx.msk [tilespmem:v62+s25+$0x0], $0xffff;
	v53 =	vmul.f32 v59, v30;
	v1 =	vadd.f32 v49, v1  }
0x1e1: {  	v55 =	vmul.f32 v20, v12;
	v6 =	vld.idx.msk [tilespmem:v46+s25+$0x0], $0xffff;
	v0 =	vadd.f32 v51, v0  }
0x1e2: {  	v56 =	vld [tilespmem:$0x7D0];
	v57 =	vmul.f32 v63, v33;
	v1 =	vadd.f32 v53, v1  }
0x1e3: {  	v59 =	vmul.f32 v23, v15;
	v52 =	vld.idx.msk [tilespmem:v41+s25+$0x0], $0xffff;
	v0 =	vadd.f32 v55, v0  }
0x1e4: {  	v63 =	vld [tilespmem:$0x7F0];
	v60 =	vmul.f32 v43, v13;
	v1 =	vadd.f32 v57, v1  }
0x1e5: {  	v62 =	vmul.f32 v26, v18;
	v61 =	vld [tilespmem:$0x600];
	v0 =	vadd.f32 v59, v0  }
0x1e6: {  	v26 =	vld [tilespmem:$0x810];
	v5 =	vmul.f32 v48, v11;
	v1 =	vadd.f32 v60, v1  }
0x1e7: {  	v23 =	vmul.f32 v29, v21;
	v20 =	vld.idx.msk [tilespmem:v50+s25+$0x0], $0xffff;
	v0 =	vadd.f32 v62, v0  }
0x1e8: {  	v31 =	vmul.f32 v32, v24;
	v32 =	vld [tilespmem:$0x830];
	v28 =	vmul.f32 v56, v52;
	v1 =	vadd.f32 v5, v1  }
0x1e9: {  	v29 =	vld.idx.msk [tilespmem:v54+s25+$0x0], $0xffff;
	v0 =	vadd.f32 v23, v0  }
0x1ea: {  	v37 =	vld [tilespmem:$0x850];
	v34 =	vmul.f32 v63, v6;
	v1 =	vadd.f32 v28, v1  }
0x1eb: {  	v36 =	vmul.f32 v10, v27;
	v35 =	vld.idx.msk [tilespmem:v58+s25+$0x0], $0xffff;
	v0 =	vadd.f32 v31, v0  }
0x1ec: {  	v38 =	vmul.f32 v26, v20;
	v40 =	vld [tilespmem:$0x870];
	v1 =	vadd.f32 v34, v1  }
0x1ed: {  	v39 =	vmul.f32 v16, v30;
	v8 =	vld.idx.msk [tilespmem:v61+s25+$0x0], $0xffff;
	v0 =	vadd.f32 v36, v0  }
0x1ee: {  	v41 =	vld [tilespmem:$0x7C0];
	v42 =	vmul.f32 v32, v29;
	v1 =	vadd.f32 v38, v1  }
0x1ef: {  	v43 =	vmul.f32 v22, v33;
	v0 =	vadd.f32 v39, v0  }
0x1f0: {  	v10 =	vmul.f32 v37, v35;
	v44 =	vld [tilespmem:$0x7E0];
	v1 =	vadd.f32 v42, v1  }
0x1f1: {  	v45 =	vmul.f32 v25, v13;
	v0 =	vadd.f32 v43, v0  }
0x1f2: {  	v46 =	vld [tilespmem:$0x800];
	v47 =	vmul.f32 v40, v8;
	v1 =	vadd.f32 v10, v1  }
0x1f3: {  	v48 =	vmul.f32 v41, v11;
	v0 =	vadd.f32 v45, v0  }
0x1f4: {  	v49 =	vld [tilespmem:$0x820];
	v1 =	vadd.f32 v47, v1  }
0x1f5: {  	v50 =	vmul.f32 v44, v52;
	v0 =	vadd.f32 v48, v0  }
0x1f6: {  	v51 =	vld [tilespmem:$0x840];
	v52 =	vmul.f32 $-2.000000000e+00, v1  }
0x1f7: {  	v53 =	vmul.f32 v46, v6;
	v0 =	vadd.f32 v50, v0  }
0x1f8: {  	v54 =	vld [tilespmem:$0x860];
	v55 =	vmul.f32 $1.442695020e+00, v52  }
0x1f9: {  	v56 =	vmul.f32 v49, v20;
	v0 =	vadd.f32 v53, v0  }
0x1fa: {  	v57 =	vld [tilespmem:$0x880];
	(erf) = vpow2.f32 v55  }
0x1fb: {  	v58 =	vmul.f32 v51, v29;
	v0 =	vadd.f32 v56, v0;
	_ =	sdelay $0x1  }
0x1fc: {  	v59 =	vmul.f32 v54, v35;
	v0 =	vadd.f32 v58, v0;
	_ =	sdelay $0x1  }
0x1fd: {  	v60 =	vmul.f32 v57, v8;
	v0 =	vadd.f32 v59, v0;
	_ =	sdelay $0x1  }
0x1fe: {  	v0 =	vadd.f32 v60, v0;
	_ =	sdelay $0x1  }
0x1ff: {  	v62 =	vmul.f32 $-2.000000000e+00, v0;
	v61 =	vpop (erf)  }
0x200: {  	v4 =	vadd.f32 $1.000000000e+00, v61  }
0x201: {  	v5 =	vmul.f32 $1.442695020e+00, v62  }
0x202: {  	(erf) = vrcp.f32 v4  }
0x203: {  	(erf) = vpow2.f32 v5;
	_ =	sdelay $0x7  }
0x204: {  	v4 =	vpop (erf)  }
0x205: {  	v5 =	vpop (erf)  }
0x206: {  	v5 =	vadd.f32 $1.000000000e+00, v5;
	_ =	sdelay $0x1  }
0x207: {  	(erf) = vrcp.f32 v5;
	_ =	sdelay $0x8  }
0x208: {  	v4 =	vadd.f32 v4, v4;
	v5 =	vpop (erf)  }
0x209: {  	v5 =	vadd.f32 v5, v5  }
0x20a: {  	v4 =	vadd.f32 $-1.000000000e+00, v4  }
0x20b: {  	v5 =	vadd.f32 $-1.000000000e+00, v5  }
0x20c: {  	v63 =	vld [tilespmem:$0x4B0];
	v4 =	vsub.f32 v4, v1  }
0x20d: {  	v5 =	vsub.f32 v5, v0  }
0x20e: {  	v2 =	vmul.f32 v4, v2  }
0x20f: {  	v3 =	vmul.f32 v5, v3  }
0x210: {  	v1 =	vadd.f32 v2, v1  }
0x211: {  	v0 =	vadd.f32 v3, v0  }
0x212: {  	[tilespmem:$0xA10] =	vst v1  }
0x213: {  	[tilespmem:$0xA20] =	vst v0  }
0x214: {  	v0 =	vld.idx.msk [tilespmem:v63+s25+$0x0], $0x3;
	_ =	sdelay $0x4  }
0x215: {  	s30 =	simm.s32 $0xA70;
	s31 =	simm.s32 $0x2;
	[tilespmem:$0xA70] =	vst v0  }
0x216: {  	[hbm4b:s1+s2] =	stream.linear.scatter [tilespmem:s30], [sflag:$0x2], $0x2, $0x38;
	[tilespmem:$0xA80] =	vst v63  }
0x217: {  	_ =	swait.ge [sflag:s31], $0x2  }
0x218: {  	[sflag:s31] =	ssyncset.done $0x0  }
0x219: {  	[sflag:s31] =	ssyncadd.s32 $0xFFFFFFFE  }
.LBB2_2:
0x21a: {  	_ =	sfence.sel $0x180000  }
0x21b: {  	[bflag:$0x0] =	sbarrier.arrive $0xFFFF  }
0x21c: {  	_ =	strace $0x90000047  }
0x21d: {  	s0 =	sadd.s32 @!p0 $0x100000, s0;
	[bflag:$0x2] =	sbarrier.arrive $0xFFFF  }
0x21e: {  	[sflag:s0] =	ssyncadd.tile.s32 @!p0 $0x1;
	_ =	shalt  }
.Lfunc_end2:
_tile_overlayer_lowered:
.L_overlay_start_2:
0x21f: {  	(tag) =	ssettag $0x2  }
0x220: {  	s0 =	rddreg [dreg:$0x0];
	s2 =	stileid.u32  }
0x221: {  	s1 =	rddreg [dreg:$0x1];
	p0 =	sne.s32 s2, $0x0  }
0x222: {  	s3 =	rddreg [dreg:$0x2];
	[bflag:$0x3] =	sbarrier.arrive $0xFFFF;
	s2 =	simm.s32 @!p0 $0x1C02  }
0x223: {  	[timem:s3], [sflag:s2] =	dma.local @!p0 [hbm:s0], s1  }
0x224: {  	s0 =	simm.s32 @!p0 $0x2  }
0x225: {  	_ =	swait.ge @!p0 [sflag:s0], s1  }
0x226: {  	s1 =	ssub.s32 @!p0 $0x0, s1;
	[sflag:s0] =	ssyncset.done @!p0 $0x0  }
0x227: {  	[sflag:s0] =	ssyncadd.s32 @!p0 s1  }
0x228: {  	[bflag:$0x3] =	sbarrier.arrive $0xFFFF  }
0x229: {  	_ =	shalt  }

</sc_bundles>
